<compile_context>
chip_gen: v7x
topology: tpu7x:2x2x1
jax: 0.10.2.dev20260603
libtpu: 0.0.44.dev20260713+nightly
codegen_flags: <defaults>
</compile_context>

<pallas_src>
import functools

import jax
import jax.numpy as jnp
from jax import lax
from jax.experimental import pallas as pl
from jax.experimental.pallas import tpu as pltpu

BIT = 128
N_DATA = 100000
TOP_FNPS = 50
THRESHOLD = 0.15
K = 2500
T = 0.9 * (BIT ** 0.5)
BATCH = 256

NBLK = 50
RBLK = N_DATA // NBLK
NCAND = 8
GREF = 16

_HI = lax.Precision.HIGHEST
_NEG = -3.0e38


def _l2norm(x):
    n = jnp.sqrt(jnp.sum(x * x, axis=1, keepdims=True))
    return x / jnp.maximum(n, 1e-12)


def _dot(a, b):
    return lax.dot_general(a, b, (((1,), (0,)), ((), ())),
                           precision=_HI, preferred_element_type=jnp.float32)


def _cand_kernel(mem_ref, qt_ref, cand_ref, t90_ref):
    b = pl.program_id(0)
    fs = _dot(mem_ref[...], qt_ref[...])
    sg = jnp.max(fs.reshape(2, RBLK // 2, BATCH), axis=0)
    cur = sg
    for k in range(NCAND):
        v = jnp.max(cur, axis=0, keepdims=True)
        cand_ref[0, k:k + 1, :] = v
        if k + 1 < NCAND:
            cur = jnp.where(cur >= v, _NEG, cur)

    @pl.when(b == 0)
    def _t90():
        target = float(round(0.1 * RBLK))
        mu = jnp.mean(fs, axis=0, keepdims=True)
        sd = jnp.sqrt(jnp.maximum(
            jnp.mean(fs * fs, axis=0, keepdims=True) - mu * mu, 1e-12))
        lo = mu - 2.5 * sd
        hi = mu - 0.5 * sd
        for _ in range(2):
            step = (hi - lo) / (GREF - 1)
            lo_n = jnp.full_like(lo, _NEG)
            hi_n = jnp.full_like(hi, -_NEG)
            for g in range(GREF):
                thr = lo + step * g
                cb = jnp.sum(jnp.where(fs < thr, 1.0, 0.0), axis=0,
                             keepdims=True)
                ge = cb >= target
                hi_n = jnp.where(ge, jnp.minimum(hi_n, thr), hi_n)
                lo_n = jnp.where(ge, lo_n, jnp.maximum(lo_n, thr))
            hi_n = jnp.where(hi_n > 1e38, lo_n + step, hi_n)
            lo_n = jnp.where(lo_n < -1e38, hi_n - step, lo_n)
            lo, hi = lo_n, hi_n
        t90_ref[...] = 0.5 * (lo + hi)


def _aux_kernel(cand_ref, g_ref, qt_ref, f1t_ref, out_ref):
    cur = cand_ref[...]
    v = jnp.max(cur, axis=0, keepdims=True)
    for _ in range(TOP_FNPS - 1):
        cur = jnp.where(cur >= v, _NEG, cur)
        v = jnp.max(cur, axis=0, keepdims=True)
    v50 = v
    cur = jnp.where(cur >= v, _NEG, cur)
    v51 = jnp.max(cur, axis=0, keepdims=True)
    t50 = 0.5 * (v50 + v51)
    ta = jnp.maximum(t50, THRESHOLD)

    g = g_ref[...]
    gq = _dot(g, qt_ref[...])
    gf = _dot(jnp.sign(g), f1t_ref[...])
    eye = (lax.broadcasted_iota(jnp.int32, (BATCH, BATCH), 0)
           == lax.broadcasted_iota(jnp.int32, (BATCH, BATCH), 1))
    pos_fs = jnp.sum(jnp.where(eye, gq, 0.0), axis=0, keepdims=True)
    pos_ss = jnp.sum(jnp.where(eye, gf, 0.0), axis=0, keepdims=True)

    out_ref[0:1, :] = t50
    out_ref[1:2, :] = ta
    out_ref[2:3, :] = pos_fs
    out_ref[3:4, :] = pos_ss


def _main_kernel(mem_ref, qt_ref, f1t_ref, aux_ref, t90_ref, out_ref, acc):
    b = pl.program_id(0)

    @pl.when(b == 0)
    def _init():
        acc[...] = jnp.zeros_like(acc)

    mem = mem_ref[...]
    fs = _dot(mem, qt_ref[...])
    ss = _dot(jnp.sign(mem), f1t_ref[...])
    es = jnp.exp(ss)

    t90 = t90_ref[...]
    ta = aux_ref[1:2, :]
    m90 = fs >= t90
    mA = fs > ta

    def s(mask, w=None):
        x = jnp.where(mask, 1.0 if w is None else w, 0.0)
        return jnp.sum(x, axis=0, keepdims=True)

    upd = jnp.concatenate([
        s(m90),
        s(m90, es),
        s(mA),
        s(mA, ss * es),
        s(mA, es),
        jnp.zeros((3, BATCH), jnp.float32),
    ], axis=0)
    acc[...] += upd

    @pl.when(b == NBLK - 1)
    def _fin():
        a = acc[...]
        C90, S90, mval, fnum, fexc = a[0:1], a[1:2], a[2:3], a[3:4], a[4:5]
        pos_fs = aux_ref[2:3, :]
        pos_ss = aux_ref[3:4, :]
        pos_es = jnp.exp(pos_ss)
        inflag = jnp.where(pos_fs >= t90, 1.0, 0.0)
        in50 = jnp.where(pos_fs > ta, 1.0, 0.0)
        m = mval - in50
        fnum = fnum - in50 * pos_ss * pos_es
        fexc = fexc - in50 * pos_es
        pm90 = inflag * pos_es
        neg_cnt = C90 - m - inflag
        den = pos_es + K * (S90 - fexc - pm90) / neg_cnt
        num = pos_es + fnum
        loss = -jnp.log(num / den) / (1.0 + m)
        out_ref[...] = jnp.sum(loss, axis=1, keepdims=True) / BATCH


def _gather_pos_rows(memory, bidx):
    from jax.experimental.pallas import tpu_sc as plsc

    info = plsc.get_sparse_core_info()
    nw = info.num_cores * info.num_subcores
    b_per_w = BATCH // nw
    mesh = plsc.VectorSubcoreMesh(core_axis_name="c", subcore_axis_name="s")

    @functools.partial(
        pl.kernel, mesh=mesh,
        out_type=jax.ShapeDtypeStruct((BATCH, BIT), jnp.float32),
        scratch_types=[
            pltpu.VMEM((b_per_w,), jnp.int32),
            pltpu.VMEM((b_per_w, BIT), jnp.float32),
            pltpu.SemaphoreType.DMA,
        ],
    )
    def kg(table_hbm, idx_hbm, out_hbm, idx_v, rows_v, sem):
        wid = lax.axis_index("s") * info.num_cores + lax.axis_index("c")
        base = wid * b_per_w
        pltpu.sync_copy(idx_hbm.at[pl.ds(base, b_per_w)], idx_v)
        pltpu.async_copy(table_hbm.at[idx_v], rows_v, sem).wait()
        pltpu.sync_copy(rows_v, out_hbm.at[pl.ds(base, b_per_w)])

    return kg(memory, bidx)


def kernel(i_A, i_B, t_A, t_B, batch_idx, memory):
    f32 = jnp.float32
    f1 = (i_A + t_A) * 0.5
    q = (_l2norm(f1) + _l2norm((i_A + t_B) * 0.5) + _l2norm((i_B + t_A) * 0.5)
         + _l2norm((i_B + t_B) * 0.5)) * 0.25
    qt = q.T.astype(f32)
    f1t = (f1 / T).T.astype(f32)
    bidx = batch_idx.astype(jnp.int32)

    cands, t90 = pl.pallas_call(
        _cand_kernel,
        grid=(NBLK,),
        in_specs=[
            pl.BlockSpec((RBLK, BIT), lambda b: (b, 0)),
            pl.BlockSpec((BIT, BATCH), lambda b: (0, 0)),
        ],
        out_specs=[
            pl.BlockSpec((1, NCAND, BATCH), lambda b: (b, 0, 0)),
            pl.BlockSpec((1, BATCH), lambda b: (0, 0)),
        ],
        out_shape=[
            jax.ShapeDtypeStruct((NBLK, NCAND, BATCH), f32),
            jax.ShapeDtypeStruct((1, BATCH), f32),
        ],
    )(memory, qt)

    posrows = _gather_pos_rows(memory, bidx)

    aux = pl.pallas_call(
        _aux_kernel,
        grid=(1,),
        in_specs=[
            pl.BlockSpec((NBLK * NCAND, BATCH), lambda b: (0, 0)),
            pl.BlockSpec((BATCH, BIT), lambda b: (0, 0)),
            pl.BlockSpec((BIT, BATCH), lambda b: (0, 0)),
            pl.BlockSpec((BIT, BATCH), lambda b: (0, 0)),
        ],
        out_specs=pl.BlockSpec((8, BATCH), lambda b: (0, 0)),
        out_shape=jax.ShapeDtypeStruct((8, BATCH), f32),
    )(cands.reshape(NBLK * NCAND, BATCH), posrows, qt, f1t)

    out = pl.pallas_call(
        _main_kernel,
        grid=(NBLK,),
        in_specs=[
            pl.BlockSpec((RBLK, BIT), lambda b: (b, 0)),
            pl.BlockSpec((BIT, BATCH), lambda b: (0, 0)),
            pl.BlockSpec((BIT, BATCH), lambda b: (0, 0)),
            pl.BlockSpec((8, BATCH), lambda b: (0, 0)),
            pl.BlockSpec((1, BATCH), lambda b: (0, 0)),
        ],
        out_specs=pl.BlockSpec((1, 1), lambda b: (0, 0)),
        out_shape=jax.ShapeDtypeStruct((1, 1), f32),
        scratch_shapes=[pltpu.VMEM((8, BATCH), f32)],
    )(memory, qt, f1t, aux, t90)

    return out.reshape(())

# --- scband reference (transcript-rebuilt; emitter-appended) ---
"""Pipeline reference for scband-fnc-36653250904880 (READ-ONLY COPY).

The authoritative reference and input builder live on the scoring server;
editing this copy changes nothing except your own understanding.
"""

import jax, jax.numpy as jnp
import numpy as np
import math

BIT = 128
N_DATA = 100000
TOP_FNPS = 50
THRESHOLD = 0.15
K = 2500
T = 0.9 * math.sqrt(BIT)
BATCH = 256


def _l2norm(x, axis=1):
    n = jnp.sqrt(jnp.sum(x * x, axis=axis, keepdims=True))
    return x / jnp.maximum(n, 1e-12)


def setup_inputs(seed: int = 0):
    key = jax.random.key(seed)
    ks = jax.random.split(key, 6)
    i_A = jax.random.normal(ks[0], (BATCH, BIT), dtype=jnp.float32)
    i_B = jax.random.normal(ks[1], (BATCH, BIT), dtype=jnp.float32)
    t_A = jax.random.normal(ks[2], (BATCH, BIT), dtype=jnp.float32)
    t_B = jax.random.normal(ks[3], (BATCH, BIT), dtype=jnp.float32)
    batch_idx = jax.random.randint(ks[4], (BATCH,), 0, N_DATA)
    stdv = 1.0 / math.sqrt(BIT / 3)
    rnd = jax.random.normal(ks[5], (N_DATA, BIT), dtype=jnp.float32) * (2 * stdv) - stdv
    memory = _l2norm(jnp.sign(rnd))
    return {"i_A": i_A, "i_B": i_B, "t_A": t_A, "t_B": t_B, "batch_idx": batch_idx, "memory": memory}


def reference(i_A, i_B, t_A, t_B, batch_idx, memory):
    # non-warmup branch (warmup_count==0 -> momentum=0.4)
    B = i_A.shape[0]
    N = memory.shape[0]
    fusion1 = (i_A + t_A) / 2.0
    fusion2 = (i_A + t_B) / 2.0
    fusion3 = (i_B + t_A) / 2.0
    fusion4 = (i_B + t_B) / 2.0
    sim1 = memory @ _l2norm(fusion1).T
    sim2 = memory @ _l2norm(fusion2).T
    sim3 = memory @ _l2norm(fusion3).T
    sim4 = memory @ _l2norm(fusion4).T
    final_sim = (sim1 + sim2 + sim3 + sim4) / 4.0
    high = int(N * 0.9)

    branches = [
        (lambda comp_, key_, n_=high - j: comp_[jax.random.permutation(key_, n_)[:K]])
        for j in range(TOP_FNPS + 2)
    ]

    def body(i, total):
        sim_column = final_sim[:, i]
        sorted_idx = jnp.argsort(-sim_column)
        pos = batch_idx[i].astype(sorted_idx.dtype)
        topk_idx = sorted_idx[:TOP_FNPS]
        topk_sim = sim_column[topk_idx]
        valid = (topk_sim > THRESHOLD) & (topk_idx != pos)
        order = jnp.argsort(jnp.logical_not(valid))
        filt_idx = topk_idx[order]
        filt_valid = valid[order]
        m = jnp.sum(valid)
        neg_cand = jax.lax.slice(sorted_idx, (0,), (high,))
        exclude = jnp.concatenate([jnp.where(filt_valid, filt_idx, pos), pos[None]])
        invalid_mask = jnp.isin(neg_cand, exclude)
        in_flag = jnp.sum(neg_cand == pos)
        compacted = neg_cand[jnp.argsort(invalid_mask)]
        subkey = jax.random.fold_in(jax.random.key(1), i)
        n_idx = (m + in_flag).astype(jnp.int32)
        neg_idx = jax.lax.switch(n_idx, branches, compacted, subkey)
        anchor = fusion1[i]
        pos_s = jnp.sign(memory[pos])
        fnp_s = jnp.sign(memory[filt_idx])
        neg_s = jnp.sign(memory[neg_idx])
        pos_sim = (pos_s @ anchor) / T
        fnp_sim = (fnp_s @ anchor) / T
        neg_sim = (neg_s @ anchor) / T
        pos_exp = jnp.exp(pos_sim)
        fnp_exp = jnp.exp(fnp_sim)
        neg_exp = jnp.exp(neg_sim)
        beta = fnp_sim
        fnp_term = jnp.where(filt_valid, beta * fnp_exp, jnp.float32(0.0))
        numerator = pos_exp + fnp_term.sum()
        denominator = neg_exp.sum() + pos_exp
        return total + (-jnp.log(numerator / denominator)) / (1.0 + m.astype(jnp.float32))

    total = jax.lax.fori_loop(0, B, body, jnp.float32(0.0))
    avg_loss = total / B
    return avg_loss

if __name__ == "__main__":
    import jax
    _d = setup_inputs()
    print(jax.jit(kernel)(*tuple(_d.values())))

</pallas_src>

<mosaic_0001>
#map = affine_map<(d0, d1) -> (0, 0)>
#map1 = affine_map<(d0, d1) -> (0)>
module attributes {stable_mosaic.version = 14 : i64} {
  func.func @kg(%arg0: i32, %arg1: i32, %arg2: memref<100000x128xf32, #tpu.memory_space<hbm>>, %arg3: memref<256xi32, #tpu.memory_space<hbm>>, %arg4: memref<256x128xf32, #tpu.memory_space<hbm>>, %arg5: memref<8xi32, #tpu.memory_space<vmem>>, %arg6: memref<8x128xf32, #tpu.memory_space<vmem>>, %arg7: memref<!tpu.dma_semaphore, #tpu.memory_space<semaphore_mem>>) attributes {dimension_semantics = [#tpu.dimension_semantics<core_parallel>, #tpu.dimension_semantics<subcore_parallel>], iteration_bounds = array<i64: 2, 16>, scalar_prefetch = 0 : i64, scratch_operands = 3 : i64, tpu.core_type = #tpu.core_type<sc_vector_subcore>, window_params = [{transform_indices = #map}, {transform_indices = #map1}, {transform_indices = #map}]} {
    %mul3A = arith.constant 2 : i32
    %mul3A_0 = arith.muli %arg1, %mul3A : i32
    %add3A = arith.addi %mul3A_0, %arg0 : i32
    %mul3A_1 = arith.constant 8 : i32
    %mul3A_2 = arith.muli %add3A, %mul3A_1 : i32
    "tpu.region"() ({
      %run_scoped3A = tpu.sem_alloc : memref<!tpu.dma_semaphore, #tpu.memory_space<semaphore_mem>>
      %dma_start3A_7 = tpu.memref_slice %arg3[%mul3A_2] : memref<256xi32, #tpu.memory_space<hbm>> -> memref<8xi32, #tpu.memory_space<hbm>>
      %dma_start3A_8 = tpu.memref_slice %arg3[%mul3A_2] : memref<256xi32, #tpu.memory_space<hbm>> -> memref<8xi32, #tpu.memory_space<hbm>>
      tpu.enqueue_dma source(%dma_start3A_8 : memref<8xi32, #tpu.memory_space<hbm>>) target(%arg5 : memref<8xi32, #tpu.memory_space<vmem>>) target_semaphore(%run_scoped3A : memref<!tpu.dma_semaphore, #tpu.memory_space<semaphore_mem>>)
      %dma_wait3A_9 = tpu.memref_slice %arg3[%mul3A_2] : memref<256xi32, #tpu.memory_space<hbm>> -> memref<8xi32, #tpu.memory_space<hbm>>
      %dma_wait3A_10 = tpu.memref_slice %arg3[%mul3A_2] : memref<256xi32, #tpu.memory_space<hbm>> -> memref<8xi32, #tpu.memory_space<hbm>>
      tpu.wait_dma2 semaphore(%run_scoped3A : memref<!tpu.dma_semaphore, #tpu.memory_space<semaphore_mem>>) src(%dma_wait3A_10 : memref<8xi32, #tpu.memory_space<hbm>>) dst(%arg5 : memref<8xi32, #tpu.memory_space<vmem>>)
      tpu.yield
    }) : () -> ()
    %dma_start3A = arith.constant 0 : i32
    %dma_start3A_3 = arith.constant 0 : i32
    %dma_start3A_4 = tpu.memref_slice %arg2[%dma_start3A, %dma_start3A_3] : memref<100000x128xf32, #tpu.memory_space<hbm>> -> memref<100000x128xf32, #tpu.memory_space<hbm>>
    tpu.enqueue_indirect_dma source(%dma_start3A_4 : memref<100000x128xf32, #tpu.memory_space<hbm>>) target(%arg6 : memref<8x128xf32, #tpu.memory_space<vmem>>) offsets(%arg5 : memref<8xi32, #tpu.memory_space<vmem>>) semaphore(%arg7 : memref<!tpu.dma_semaphore, #tpu.memory_space<semaphore_mem>>)
    %dma_wait3A = arith.constant 0 : i32
    %dma_wait3A_5 = arith.constant 0 : i32
    %dma_wait3A_6 = tpu.memref_slice %arg2[%dma_wait3A, %dma_wait3A_5] : memref<100000x128xf32, #tpu.memory_space<hbm>> -> memref<100000x128xf32, #tpu.memory_space<hbm>>
    tpu.wait_indirect_dma semaphore(%arg7 : memref<!tpu.dma_semaphore, #tpu.memory_space<semaphore_mem>>) src(%dma_wait3A_6 : memref<100000x128xf32, #tpu.memory_space<hbm>>) dst(%arg6 : memref<8x128xf32, #tpu.memory_space<vmem>>)
    "tpu.region"() ({
      %run_scoped3A = tpu.sem_alloc : memref<!tpu.dma_semaphore, #tpu.memory_space<semaphore_mem>>
      %dma_start3A_7 = arith.constant 0 : i32
      %dma_start3A_8 = tpu.memref_slice %arg4[%mul3A_2, %dma_start3A_7] : memref<256x128xf32, #tpu.memory_space<hbm>> -> memref<8x128xf32, #tpu.memory_space<hbm>>
      %dma_start3A_9 = arith.constant 0 : i32
      %dma_start3A_10 = tpu.memref_slice %arg4[%mul3A_2, %dma_start3A_9] : memref<256x128xf32, #tpu.memory_space<hbm>> -> memref<8x128xf32, #tpu.memory_space<hbm>>
      tpu.enqueue_dma source(%arg6 : memref<8x128xf32, #tpu.memory_space<vmem>>) target(%dma_start3A_10 : memref<8x128xf32, #tpu.memory_space<hbm>>) target_semaphore(%run_scoped3A : memref<!tpu.dma_semaphore, #tpu.memory_space<semaphore_mem>>)
      %dma_wait3A_11 = arith.constant 0 : i32
      %dma_wait3A_12 = tpu.memref_slice %arg4[%mul3A_2, %dma_wait3A_11] : memref<256x128xf32, #tpu.memory_space<hbm>> -> memref<8x128xf32, #tpu.memory_space<hbm>>
      %dma_wait3A_13 = arith.constant 0 : i32
      %dma_wait3A_14 = tpu.memref_slice %arg4[%mul3A_2, %dma_wait3A_13] : memref<256x128xf32, #tpu.memory_space<hbm>> -> memref<8x128xf32, #tpu.memory_space<hbm>>
      tpu.wait_dma2 semaphore(%run_scoped3A : memref<!tpu.dma_semaphore, #tpu.memory_space<semaphore_mem>>) src(%arg6 : memref<8x128xf32, #tpu.memory_space<vmem>>) dst(%dma_wait3A_14 : memref<8x128xf32, #tpu.memory_space<hbm>>)
      tpu.yield
    }) : () -> ()
    return
  }
}

module attributes {stable_mosaic.version = 14 : i64} {
  func.func @_aux_kernel(%arg0: i32, %arg1: memref<400x256xf32, #tpu.memory_space<vmem>>, %arg2: memref<256x128xf32, #tpu.memory_space<vmem>>, %arg3: memref<128x256xf32, #tpu.memory_space<vmem>>, %arg4: memref<128x256xf32, #tpu.memory_space<vmem>>, %arg5: memref<8x256xf32, #tpu.memory_space<vmem>>) attributes {dimension_semantics = [#tpu.dimension_semantics<arbitrary>], iteration_bounds = array<i64: 1>, scalar_prefetch = 0 : i64, scratch_operands = 0 : i64, tpu.core_type = #tpu.core_type<tc>, window_params = [{pipeline_mode = #tpu.pipeline_mode<synchronous>, transform_indices = @transform_0, window_bounds = array<i64: 400, 256>}, {pipeline_mode = #tpu.pipeline_mode<synchronous>, transform_indices = @transform_1, window_bounds = array<i64: 256, 128>}, {pipeline_mode = #tpu.pipeline_mode<synchronous>, transform_indices = @transform_2, window_bounds = array<i64: 128, 256>}, {pipeline_mode = #tpu.pipeline_mode<synchronous>, transform_indices = @transform_3, window_bounds = array<i64: 128, 256>}, {pipeline_mode = #tpu.pipeline_mode<synchronous>, transform_indices = @transform_4, window_bounds = array<i64: 8, 256>}]} {
    %get3A = arith.constant 0 : index
    %get3A_0 = arith.constant 0 : index
    %get3A_1 = vector.load %arg1[%get3A, %get3A_0] : memref<400x256xf32, #tpu.memory_space<vmem>>, vector<400x256xf32>
    %reduce_max3A = arith.constant dense<0xFF800000> : vector<256xf32>
    %reduce_max3A_2 = vector.multi_reduction <maximumf>, %get3A_1, %reduce_max3A [0] : vector<400x256xf32> to vector<256xf32>
    %broadcast_in_dim3A = vector.shape_cast %reduce_max3A_2 : vector<256xf32> to vector<1x256xf32>
    %ge3A = vector.broadcast %broadcast_in_dim3A : vector<1x256xf32> to vector<400x256xf32>
    %ge3A_3 = arith.cmpf oge, %get3A_1, %ge3A : vector<400x256xf32>
    %jit3A = arith.constant -3.000000e+38 : f32
    %broadcast_in_dim3A_4 = vector.broadcast %jit3A : f32 to vector<400x256xf32>
    %select_n3A = arith.select %ge3A_3, %broadcast_in_dim3A_4, %get3A_1 : vector<400x256xi1>, vector<400x256xf32>
    %reduce_max3A_5 = arith.constant dense<0xFF800000> : vector<256xf32>
    %reduce_max3A_6 = vector.multi_reduction <maximumf>, %select_n3A, %reduce_max3A_5 [0] : vector<400x256xf32> to vector<256xf32>
    %broadcast_in_dim3A_7 = vector.shape_cast %reduce_max3A_6 : vector<256xf32> to vector<1x256xf32>
    %ge3A_8 = vector.broadcast %broadcast_in_dim3A_7 : vector<1x256xf32> to vector<400x256xf32>
    %ge3A_9 = arith.cmpf oge, %select_n3A, %ge3A_8 : vector<400x256xf32>
    %jit3A_10 = arith.constant -3.000000e+38 : f32
    %broadcast_in_dim3A_11 = vector.broadcast %jit3A_10 : f32 to vector<400x256xf32>
    %select_n3A_12 = arith.select %ge3A_9, %broadcast_in_dim3A_11, %select_n3A : vector<400x256xi1>, vector<400x256xf32>
    %reduce_max3A_13 = arith.constant dense<0xFF800000> : vector<256xf32>
    %reduce_max3A_14 = vector.multi_reduction <maximumf>, %select_n3A_12, %reduce_max3A_13 [0] : vector<400x256xf32> to vector<256xf32>
    %broadcast_in_dim3A_15 = vector.shape_cast %reduce_max3A_14 : vector<256xf32> to vector<1x256xf32>
    %ge3A_16 = vector.broadcast %broadcast_in_dim3A_15 : vector<1x256xf32> to vector<400x256xf32>
    %ge3A_17 = arith.cmpf oge, %select_n3A_12, %ge3A_16 : vector<400x256xf32>
    %jit3A_18 = arith.constant -3.000000e+38 : f32
    %broadcast_in_dim3A_19 = vector.broadcast %jit3A_18 : f32 to vector<400x256xf32>
    %select_n3A_20 = arith.select %ge3A_17, %broadcast_in_dim3A_19, %select_n3A_12 : vector<400x256xi1>, vector<400x256xf32>
    %reduce_max3A_21 = arith.constant dense<0xFF800000> : vector<256xf32>
    %reduce_max3A_22 = vector.multi_reduction <maximumf>, %select_n3A_20, %reduce_max3A_21 [0] : vector<400x256xf32> to vector<256xf32>
    %broadcast_in_dim3A_23 = vector.shape_cast %reduce_max3A_22 : vector<256xf32> to vector<1x256xf32>
    %ge3A_24 = vector.broadcast %broadcast_in_dim3A_23 : vector<1x256xf32> to vector<400x256xf32>
    %ge3A_25 = arith.cmpf oge, %select_n3A_20, %ge3A_24 : vector<400x256xf32>
    %jit3A_26 = arith.constant -3.000000e+38 : f32
    %broadcast_in_dim3A_27 = vector.broadcast %jit3A_26 : f32 to vector<400x256xf32>
    %select_n3A_28 = arith.select %ge3A_25, %broadcast_in_dim3A_27, %select_n3A_20 : vector<400x256xi1>, vector<400x256xf32>
    %reduce_max3A_29 = arith.constant dense<0xFF800000> : vector<256xf32>
    %reduce_max3A_30 = vector.multi_reduction <maximumf>, %select_n3A_28, %reduce_max3A_29 [0] : vector<400x256xf32> to vector<256xf32>
    %broadcast_in_dim3A_31 = vector.shape_cast %reduce_max3A_30 : vector<256xf32> to vector<1x256xf32>
    %ge3A_32 = vector.broadcast %broadcast_in_dim3A_31 : vector<1x256xf32> to vector<400x256xf32>
    %ge3A_33 = arith.cmpf oge, %select_n3A_28, %ge3A_32 : vector<400x256xf32>
    %jit3A_34 = arith.constant -3.000000e+38 : f32
    %broadcast_in_dim3A_35 = vector.broadcast %jit3A_34 : f32 to vector<400x256xf32>
    %select_n3A_36 = arith.select %ge3A_33, %broadcast_in_dim3A_35, %select_n3A_28 : vector<400x256xi1>, vector<400x256xf32>
    %reduce_max3A_37 = arith.constant dense<0xFF800000> : vector<256xf32>
    %reduce_max3A_38 = vector.multi_reduction <maximumf>, %select_n3A_36, %reduce_max3A_37 [0] : vector<400x256xf32> to vector<256xf32>
    %broadcast_in_dim3A_39 = vector.shape_cast %reduce_max3A_38 : vector<256xf32> to vector<1x256xf32>
    %ge3A_40 = vector.broadcast %broadcast_in_dim3A_39 : vector<1x256xf32> to vector<400x256xf32>
    %ge3A_41 = arith.cmpf oge, %select_n3A_36, %ge3A_40 : vector<400x256xf32>
    %jit3A_42 = arith.constant -3.000000e+38 : f32
    %broadcast_in_dim3A_43 = vector.broadcast %jit3A_42 : f32 to vector<400x256xf32>
    %select_n3A_44 = arith.select %ge3A_41, %broadcast_in_dim3A_43, %select_n3A_36 : vector<400x256xi1>, vector<400x256xf32>
    %reduce_max3A_45 = arith.constant dense<0xFF800000> : vector<256xf32>
    %reduce_max3A_46 = vector.multi_reduction <maximumf>, %select_n3A_44, %reduce_max3A_45 [0] : vector<400x256xf32> to vector<256xf32>
    %broadcast_in_dim3A_47 = vector.shape_cast %reduce_max3A_46 : vector<256xf32> to vector<1x256xf32>
    %ge3A_48 = vector.broadcast %broadcast_in_dim3A_47 : vector<1x256xf32> to vector<400x256xf32>
    %ge3A_49 = arith.cmpf oge, %select_n3A_44, %ge3A_48 : vector<400x256xf32>
    %jit3A_50 = arith.constant -3.000000e+38 : f32
    %broadcast_in_dim3A_51 = vector.broadcast %jit3A_50 : f32 to vector<400x256xf32>
    %select_n3A_52 = arith.select %ge3A_49, %broadcast_in_dim3A_51, %select_n3A_44 : vector<400x256xi1>, vector<400x256xf32>
    %reduce_max3A_53 = arith.constant dense<0xFF800000> : vector<256xf32>
    %reduce_max3A_54 = vector.multi_reduction <maximumf>, %select_n3A_52, %reduce_max3A_53 [0] : vector<400x256xf32> to vector<256xf32>
    %broadcast_in_dim3A_55 = vector.shape_cast %reduce_max3A_54 : vector<256xf32> to vector<1x256xf32>
    %ge3A_56 = vector.broadcast %broadcast_in_dim3A_55 : vector<1x256xf32> to vector<400x256xf32>
    %ge3A_57 = arith.cmpf oge, %select_n3A_52, %ge3A_56 : vector<400x256xf32>
    %jit3A_58 = arith.constant -3.000000e+38 : f32
    %broadcast_in_dim3A_59 = vector.broadcast %jit3A_58 : f32 to vector<400x256xf32>
    %select_n3A_60 = arith.select %ge3A_57, %broadcast_in_dim3A_59, %select_n3A_52 : vector<400x256xi1>, vector<400x256xf32>
    %reduce_max3A_61 = arith.constant dense<0xFF800000> : vector<256xf32>
    %reduce_max3A_62 = vector.multi_reduction <maximumf>, %select_n3A_60, %reduce_max3A_61 [0] : vector<400x256xf32> to vector<256xf32>
    %broadcast_in_dim3A_63 = vector.shape_cast %reduce_max3A_62 : vector<256xf32> to vector<1x256xf32>
    %ge3A_64 = vector.broadcast %broadcast_in_dim3A_63 : vector<1x256xf32> to vector<400x256xf32>
    %ge3A_65 = arith.cmpf oge, %select_n3A_60, %ge3A_64 : vector<400x256xf32>
    %jit3A_66 = arith.constant -3.000000e+38 : f32
    %broadcast_in_dim3A_67 = vector.broadcast %jit3A_66 : f32 to vector<400x256xf32>
    %select_n3A_68 = arith.select %ge3A_65, %broadcast_in_dim3A_67, %select_n3A_60 : vector<400x256xi1>, vector<400x256xf32>
    %reduce_max3A_69 = arith.constant dense<0xFF800000> : vector<256xf32>
    %reduce_max3A_70 = vector.multi_reduction <maximumf>, %select_n3A_68, %reduce_max3A_69 [0] : vector<400x256xf32> to vector<256xf32>
    %broadcast_in_dim3A_71 = vector.shape_cast %reduce_max3A_70 : vector<256xf32> to vector<1x256xf32>
    %ge3A_72 = vector.broadcast %broadcast_in_dim3A_71 : vector<1x256xf32> to vector<400x256xf32>
    %ge3A_73 = arith.cmpf oge, %select_n3A_68, %ge3A_72 : vector<400x256xf32>
    %jit3A_74 = arith.constant -3.000000e+38 : f32
    %broadcast_in_dim3A_75 = vector.broadcast %jit3A_74 : f32 to vector<400x256xf32>
    %select_n3A_76 = arith.select %ge3A_73, %broadcast_in_dim3A_75, %select_n3A_68 : vector<400x256xi1>, vector<400x256xf32>
    %reduce_max3A_77 = arith.constant dense<0xFF800000> : vector<256xf32>
    %reduce_max3A_78 = vector.multi_reduction <maximumf>, %select_n3A_76, %reduce_max3A_77 [0] : vector<400x256xf32> to vector<256xf32>
    %broadcast_in_dim3A_79 = vector.shape_cast %reduce_max3A_78 : vector<256xf32> to vector<1x256xf32>
    %ge3A_80 = vector.broadcast %broadcast_in_dim3A_79 : vector<1x256xf32> to vector<400x256xf32>
    %ge3A_81 = arith.cmpf oge, %select_n3A_76, %ge3A_80 : vector<400x256xf32>
    %jit3A_82 = arith.constant -3.000000e+38 : f32
    %broadcast_in_dim3A_83 = vector.broadcast %jit3A_82 : f32 to vector<400x256xf32>
    %select_n3A_84 = arith.select %ge3A_81, %broadcast_in_dim3A_83, %select_n3A_76 : vector<400x256xi1>, vector<400x256xf32>
    %reduce_max3A_85 = arith.constant dense<0xFF800000> : vector<256xf32>
    %reduce_max3A_86 = vector.multi_reduction <maximumf>, %select_n3A_84, %reduce_max3A_85 [0] : vector<400x256xf32> to vector<256xf32>
    %broadcast_in_dim3A_87 = vector.shape_cast %reduce_max3A_86 : vector<256xf32> to vector<1x256xf32>
    %ge3A_88 = vector.broadcast %broadcast_in_dim3A_87 : vector<1x256xf32> to vector<400x256xf32>
    %ge3A_89 = arith.cmpf oge, %select_n3A_84, %ge3A_88 : vector<400x256xf32>
    %jit3A_90 = arith.constant -3.000000e+38 : f32
    %broadcast_in_dim3A_91 = vector.broadcast %jit3A_90 : f32 to vector<400x256xf32>
    %select_n3A_92 = arith.select %ge3A_89, %broadcast_in_dim3A_91, %select_n3A_84 : vector<400x256xi1>, vector<400x256xf32>
    %reduce_max3A_93 = arith.constant dense<0xFF800000> : vector<256xf32>
    %reduce_max3A_94 = vector.multi_reduction <maximumf>, %select_n3A_92, %reduce_max3A_93 [0] : vector<400x256xf32> to vector<256xf32>
    %broadcast_in_dim3A_95 = vector.shape_cast %reduce_max3A_94 : vector<256xf32> to vector<1x256xf32>
    %ge3A_96 = vector.broadcast %broadcast_in_dim3A_95 : vector<1x256xf32> to vector<400x256xf32>
    %ge3A_97 = arith.cmpf oge, %select_n3A_92, %ge3A_96 : vector<400x256xf32>
    %jit3A_98 = arith.constant -3.000000e+38 : f32
    %broadcast_in_dim3A_99 = vector.broadcast %jit3A_98 : f32 to vector<400x256xf32>
    %select_n3A_100 = arith.select %ge3A_97, %broadcast_in_dim3A_99, %select_n3A_92 : vector<400x256xi1>, vector<400x256xf32>
    %reduce_max3A_101 = arith.constant dense<0xFF800000> : vector<256xf32>
    %reduce_max3A_102 = vector.multi_reduction <maximumf>, %select_n3A_100, %reduce_max3A_101 [0] : vector<400x256xf32> to vector<256xf32>
    %broadcast_in_dim3A_103 = vector.shape_cast %reduce_max3A_102 : vector<256xf32> to vector<1x256xf32>
    %ge3A_104 = vector.broadcast %broadcast_in_dim3A_103 : vector<1x256xf32> to vector<400x256xf32>
    %ge3A_105 = arith.cmpf oge, %select_n3A_100, %ge3A_104 : vector<400x256xf32>
    %jit3A_106 = arith.constant -3.000000e+38 : f32
    %broadcast_in_dim3A_107 = vector.broadcast %jit3A_106 : f32 to vector<400x256xf32>
    %select_n3A_108 = arith.select %ge3A_105, %broadcast_in_dim3A_107, %select_n3A_100 : vector<400x256xi1>, vector<400x256xf32>
    %reduce_max3A_109 = arith.constant dense<0xFF800000> : vector<256xf32>
    %reduce_max3A_110 = vector.multi_reduction <maximumf>, %select_n3A_108, %reduce_max3A_109 [0] : vector<400x256xf32> to vector<256xf32>
    %broadcast_in_dim3A_111 = vector.shape_cast %reduce_max3A_110 : vector<256xf32> to vector<1x256xf32>
    %ge3A_112 = vector.broadcast %broadcast_in_dim3A_111 : vector<1x256xf32> to vector<400x256xf32>
    %ge3A_113 = arith.cmpf oge, %select_n3A_108, %ge3A_112 : vector<400x256xf32>
    %jit3A_114 = arith.constant -3.000000e+38 : f32
    %broadcast_in_dim3A_115 = vector.broadcast %jit3A_114 : f32 to vector<400x256xf32>
    %select_n3A_116 = arith.select %ge3A_113, %broadcast_in_dim3A_115, %select_n3A_108 : vector<400x256xi1>, vector<400x256xf32>
    %reduce_max3A_117 = arith.constant dense<0xFF800000> : vector<256xf32>
    %reduce_max3A_118 = vector.multi_reduction <maximumf>, %select_n3A_116, %reduce_max3A_117 [0] : vector<400x256xf32> to vector<256xf32>
    %broadcast_in_dim3A_119 = vector.shape_cast %reduce_max3A_118 : vector<256xf32> to vector<1x256xf32>
    %ge3A_120 = vector.broadcast %broadcast_in_dim3A_119 : vector<1x256xf32> to vector<400x256xf32>
    %ge3A_121 = arith.cmpf oge, %select_n3A_116, %ge3A_120 : vector<400x256xf32>
    %jit3A_122 = arith.constant -3.000000e+38 : f32
    %broadcast_in_dim3A_123 = vector.broadcast %jit3A_122 : f32 to vector<400x256xf32>
    %select_n3A_124 = arith.select %ge3A_121, %broadcast_in_dim3A_123, %select_n3A_116 : vector<400x256xi1>, vector<400x256xf32>
    %reduce_max3A_125 = arith.constant dense<0xFF800000> : vector<256xf32>
    %reduce_max3A_126 = vector.multi_reduction <maximumf>, %select_n3A_124, %reduce_max3A_125 [0] : vector<400x256xf32> to vector<256xf32>
    %broadcast_in_dim3A_127 = vector.shape_cast %reduce_max3A_126 : vector<256xf32> to vector<1x256xf32>
    %ge3A_128 = vector.broadcast %broadcast_in_dim3A_127 : vector<1x256xf32> to vector<400x256xf32>
    %ge3A_129 = arith.cmpf oge, %select_n3A_124, %ge3A_128 : vector<400x256xf32>
    %jit3A_130 = arith.constant -3.000000e+38 : f32
    %broadcast_in_dim3A_131 = vector.broadcast %jit3A_130 : f32 to vector<400x256xf32>
    %select_n3A_132 = arith.select %ge3A_129, %broadcast_in_dim3A_131, %select_n3A_124 : vector<400x256xi1>, vector<400x256xf32>
    %reduce_max3A_133 = arith.constant dense<0xFF800000> : vector<256xf32>
    %reduce_max3A_134 = vector.multi_reduction <maximumf>, %select_n3A_132, %reduce_max3A_133 [0] : vector<400x256xf32> to vector<256xf32>
    %broadcast_in_dim3A_135 = vector.shape_cast %reduce_max3A_134 : vector<256xf32> to vector<1x256xf32>
    %ge3A_136 = vector.broadcast %broadcast_in_dim3A_135 : vector<1x256xf32> to vector<400x256xf32>
    %ge3A_137 = arith.cmpf oge, %select_n3A_132, %ge3A_136 : vector<400x256xf32>
    %jit3A_138 = arith.constant -3.000000e+38 : f32
    %broadcast_in_dim3A_139 = vector.broadcast %jit3A_138 : f32 to vector<400x256xf32>
    %select_n3A_140 = arith.select %ge3A_137, %broadcast_in_dim3A_139, %select_n3A_132 : vector<400x256xi1>, vector<400x256xf32>
    %reduce_max3A_141 = arith.constant dense<0xFF800000> : vector<256xf32>
    %reduce_max3A_142 = vector.multi_reduction <maximumf>, %select_n3A_140, %reduce_max3A_141 [0] : vector<400x256xf32> to vector<256xf32>
    %broadcast_in_dim3A_143 = vector.shape_cast %reduce_max3A_142 : vector<256xf32> to vector<1x256xf32>
    %ge3A_144 = vector.broadcast %broadcast_in_dim3A_143 : vector<1x256xf32> to vector<400x256xf32>
    %ge3A_145 = arith.cmpf oge, %select_n3A_140, %ge3A_144 : vector<400x256xf32>
    %jit3A_146 = arith.constant -3.000000e+38 : f32
    %broadcast_in_dim3A_147 = vector.broadcast %jit3A_146 : f32 to vector<400x256xf32>
    %select_n3A_148 = arith.select %ge3A_145, %broadcast_in_dim3A_147, %select_n3A_140 : vector<400x256xi1>, vector<400x256xf32>
    %reduce_max3A_149 = arith.constant dense<0xFF800000> : vector<256xf32>
    %reduce_max3A_150 = vector.multi_reduction <maximumf>, %select_n3A_148, %reduce_max3A_149 [0] : vector<400x256xf32> to vector<256xf32>
    %broadcast_in_dim3A_151 = vector.shape_cast %reduce_max3A_150 : vector<256xf32> to vector<1x256xf32>
    %ge3A_152 = vector.broadcast %broadcast_in_dim3A_151 : vector<1x256xf32> to vector<400x256xf32>
    %ge3A_153 = arith.cmpf oge, %select_n3A_148, %ge3A_152 : vector<400x256xf32>
    %jit3A_154 = arith.constant -3.000000e+38 : f32
    %broadcast_in_dim3A_155 = vector.broadcast %jit3A_154 : f32 to vector<400x256xf32>
    %select_n3A_156 = arith.select %ge3A_153, %broadcast_in_dim3A_155, %select_n3A_148 : vector<400x256xi1>, vector<400x256xf32>
    %reduce_max3A_157 = arith.constant dense<0xFF800000> : vector<256xf32>
    %reduce_max3A_158 = vector.multi_reduction <maximumf>, %select_n3A_156, %reduce_max3A_157 [0] : vector<400x256xf32> to vector<256xf32>
    %broadcast_in_dim3A_159 = vector.shape_cast %reduce_max3A_158 : vector<256xf32> to vector<1x256xf32>
    %ge3A_160 = vector.broadcast %broadcast_in_dim3A_159 : vector<1x256xf32> to vector<400x256xf32>
    %ge3A_161 = arith.cmpf oge, %select_n3A_156, %ge3A_160 : vector<400x256xf32>
    %jit3A_162 = arith.constant -3.000000e+38 : f32
    %broadcast_in_dim3A_163 = vector.broadcast %jit3A_162 : f32 to vector<400x256xf32>
    %select_n3A_164 = arith.select %ge3A_161, %broadcast_in_dim3A_163, %select_n3A_156 : vector<400x256xi1>, vector<400x256xf32>
    %reduce_max3A_165 = arith.constant dense<0xFF800000> : vector<256xf32>
    %reduce_max3A_166 = vector.multi_reduction <maximumf>, %select_n3A_164, %reduce_max3A_165 [0] : vector<400x256xf32> to vector<256xf32>
    %broadcast_in_dim3A_167 = vector.shape_cast %reduce_max3A_166 : vector<256xf32> to vector<1x256xf32>
    %ge3A_168 = vector.broadcast %broadcast_in_dim3A_167 : vector<1x256xf32> to vector<400x256xf32>
    %ge3A_169 = arith.cmpf oge, %select_n3A_164, %ge3A_168 : vector<400x256xf32>
    %jit3A_170 = arith.constant -3.000000e+38 : f32
    %broadcast_in_dim3A_171 = vector.broadcast %jit3A_170 : f32 to vector<400x256xf32>
    %select_n3A_172 = arith.select %ge3A_169, %broadcast_in_dim3A_171, %select_n3A_164 : vector<400x256xi1>, vector<400x256xf32>
    %reduce_max3A_173 = arith.constant dense<0xFF800000> : vector<256xf32>
    %reduce_max3A_174 = vector.multi_reduction <maximumf>, %select_n3A_172, %reduce_max3A_173 [0] : vector<400x256xf32> to vector<256xf32>
    %broadcast_in_dim3A_175 = vector.shape_cast %reduce_max3A_174 : vector<256xf32> to vector<1x256xf32>
    %ge3A_176 = vector.broadcast %broadcast_in_dim3A_175 : vector<1x256xf32> to vector<400x256xf32>
    %ge3A_177 = arith.cmpf oge, %select_n3A_172, %ge3A_176 : vector<400x256xf32>
    %jit3A_178 = arith.constant -3.000000e+38 : f32
    %broadcast_in_dim3A_179 = vector.broadcast %jit3A_178 : f32 to vector<400x256xf32>
    %select_n3A_180 = arith.select %ge3A_177, %broadcast_in_dim3A_179, %select_n3A_172 : vector<400x256xi1>, vector<400x256xf32>
    %reduce_max3A_181 = arith.constant dense<0xFF800000> : vector<256xf32>
    %reduce_max3A_182 = vector.multi_reduction <maximumf>, %select_n3A_180, %reduce_max3A_181 [0] : vector<400x256xf32> to vector<256xf32>
    %broadcast_in_dim3A_183 = vector.shape_cast %reduce_max3A_182 : vector<256xf32> to vector<1x256xf32>
    %ge3A_184 = vector.broadcast %broadcast_in_dim3A_183 : vector<1x256xf32> to vector<400x256xf32>
    %ge3A_185 = arith.cmpf oge, %select_n3A_180, %ge3A_184 : vector<400x256xf32>
    %jit3A_186 = arith.constant -3.000000e+38 : f32
    %broadcast_in_dim3A_187 = vector.broadcast %jit3A_186 : f32 to vector<400x256xf32>
    %select_n3A_188 = arith.select %ge3A_185, %broadcast_in_dim3A_187, %select_n3A_180 : vector<400x256xi1>, vector<400x256xf32>
    %reduce_max3A_189 = arith.constant dense<0xFF800000> : vector<256xf32>
    %reduce_max3A_190 = vector.multi_reduction <maximumf>, %select_n3A_188, %reduce_max3A_189 [0] : vector<400x256xf32> to vector<256xf32>
    %broadcast_in_dim3A_191 = vector.shape_cast %reduce_max3A_190 : vector<256xf32> to vector<1x256xf32>
    %ge3A_192 = vector.broadcast %broadcast_in_dim3A_191 : vector<1x256xf32> to vector<400x256xf32>
    %ge3A_193 = arith.cmpf oge, %select_n3A_188, %ge3A_192 : vector<400x256xf32>
    %jit3A_194 = arith.constant -3.000000e+38 : f32
    %broadcast_in_dim3A_195 = vector.broadcast %jit3A_194 : f32 to vector<400x256xf32>
    %select_n3A_196 = arith.select %ge3A_193, %broadcast_in_dim3A_195, %select_n3A_188 : vector<400x256xi1>, vector<400x256xf32>
    %reduce_max3A_197 = arith.constant dense<0xFF800000> : vector<256xf32>
    %reduce_max3A_198 = vector.multi_reduction <maximumf>, %select_n3A_196, %reduce_max3A_197 [0] : vector<400x256xf32> to vector<256xf32>
    %broadcast_in_dim3A_199 = vector.shape_cast %reduce_max3A_198 : vector<256xf32> to vector<1x256xf32>
    %ge3A_200 = vector.broadcast %broadcast_in_dim3A_199 : vector<1x256xf32> to vector<400x256xf32>
    %ge3A_201 = arith.cmpf oge, %select_n3A_196, %ge3A_200 : vector<400x256xf32>
    %jit3A_202 = arith.constant -3.000000e+38 : f32
    %broadcast_in_dim3A_203 = vector.broadcast %jit3A_202 : f32 to vector<400x256xf32>
    %select_n3A_204 = arith.select %ge3A_201, %broadcast_in_dim3A_203, %select_n3A_196 : vector<400x256xi1>, vector<400x256xf32>
    %reduce_max3A_205 = arith.constant dense<0xFF800000> : vector<256xf32>
    %reduce_max3A_206 = vector.multi_reduction <maximumf>, %select_n3A_204, %reduce_max3A_205 [0] : vector<400x256xf32> to vector<256xf32>
    %broadcast_in_dim3A_207 = vector.shape_cast %reduce_max3A_206 : vector<256xf32> to vector<1x256xf32>
    %ge3A_208 = vector.broadcast %broadcast_in_dim3A_207 : vector<1x256xf32> to vector<400x256xf32>
    %ge3A_209 = arith.cmpf oge, %select_n3A_204, %ge3A_208 : vector<400x256xf32>
    %jit3A_210 = arith.constant -3.000000e+38 : f32
    %broadcast_in_dim3A_211 = vector.broadcast %jit3A_210 : f32 to vector<400x256xf32>
    %select_n3A_212 = arith.select %ge3A_209, %broadcast_in_dim3A_211, %select_n3A_204 : vector<400x256xi1>, vector<400x256xf32>
    %reduce_max3A_213 = arith.constant dense<0xFF800000> : vector<256xf32>
    %reduce_max3A_214 = vector.multi_reduction <maximumf>, %select_n3A_212, %reduce_max3A_213 [0] : vector<400x256xf32> to vector<256xf32>
    %broadcast_in_dim3A_215 = vector.shape_cast %reduce_max3A_214 : vector<256xf32> to vector<1x256xf32>
    %ge3A_216 = vector.broadcast %broadcast_in_dim3A_215 : vector<1x256xf32> to vector<400x256xf32>
    %ge3A_217 = arith.cmpf oge, %select_n3A_212, %ge3A_216 : vector<400x256xf32>
    %jit3A_218 = arith.constant -3.000000e+38 : f32
    %broadcast_in_dim3A_219 = vector.broadcast %jit3A_218 : f32 to vector<400x256xf32>
    %select_n3A_220 = arith.select %ge3A_217, %broadcast_in_dim3A_219, %select_n3A_212 : vector<400x256xi1>, vector<400x256xf32>
    %reduce_max3A_221 = arith.constant dense<0xFF800000> : vector<256xf32>
    %reduce_max3A_222 = vector.multi_reduction <maximumf>, %select_n3A_220, %reduce_max3A_221 [0] : vector<400x256xf32> to vector<256xf32>
    %broadcast_in_dim3A_223 = vector.shape_cast %reduce_max3A_222 : vector<256xf32> to vector<1x256xf32>
    %ge3A_224 = vector.broadcast %broadcast_in_dim3A_223 : vector<1x256xf32> to vector<400x256xf32>
    %ge3A_225 = arith.cmpf oge, %select_n3A_220, %ge3A_224 : vector<400x256xf32>
    %jit3A_226 = arith.constant -3.000000e+38 : f32
    %broadcast_in_dim3A_227 = vector.broadcast %jit3A_226 : f32 to vector<400x256xf32>
    %select_n3A_228 = arith.select %ge3A_225, %broadcast_in_dim3A_227, %select_n3A_220 : vector<400x256xi1>, vector<400x256xf32>
    %reduce_max3A_229 = arith.constant dense<0xFF800000> : vector<256xf32>
    %reduce_max3A_230 = vector.multi_reduction <maximumf>, %select_n3A_228, %reduce_max3A_229 [0] : vector<400x256xf32> to vector<256xf32>
    %broadcast_in_dim3A_231 = vector.shape_cast %reduce_max3A_230 : vector<256xf32> to vector<1x256xf32>
    %ge3A_232 = vector.broadcast %broadcast_in_dim3A_231 : vector<1x256xf32> to vector<400x256xf32>
    %ge3A_233 = arith.cmpf oge, %select_n3A_228, %ge3A_232 : vector<400x256xf32>
    %jit3A_234 = arith.constant -3.000000e+38 : f32
    %broadcast_in_dim3A_235 = vector.broadcast %jit3A_234 : f32 to vector<400x256xf32>
    %select_n3A_236 = arith.select %ge3A_233, %broadcast_in_dim3A_235, %select_n3A_228 : vector<400x256xi1>, vector<400x256xf32>
    %reduce_max3A_237 = arith.constant dense<0xFF800000> : vector<256xf32>
    %reduce_max3A_238 = vector.multi_reduction <maximumf>, %select_n3A_236, %reduce_max3A_237 [0] : vector<400x256xf32> to vector<256xf32>
    %broadcast_in_dim3A_239 = vector.shape_cast %reduce_max3A_238 : vector<256xf32> to vector<1x256xf32>
    %ge3A_240 = vector.broadcast %broadcast_in_dim3A_239 : vector<1x256xf32> to vector<400x256xf32>
    %ge3A_241 = arith.cmpf oge, %select_n3A_236, %ge3A_240 : vector<400x256xf32>
    %jit3A_242 = arith.constant -3.000000e+38 : f32
    %broadcast_in_dim3A_243 = vector.broadcast %jit3A_242 : f32 to vector<400x256xf32>
    %select_n3A_244 = arith.select %ge3A_241, %broadcast_in_dim3A_243, %select_n3A_236 : vector<400x256xi1>, vector<400x256xf32>
    %reduce_max3A_245 = arith.constant dense<0xFF800000> : vector<256xf32>
    %reduce_max3A_246 = vector.multi_reduction <maximumf>, %select_n3A_244, %reduce_max3A_245 [0] : vector<400x256xf32> to vector<256xf32>
    %broadcast_in_dim3A_247 = vector.shape_cast %reduce_max3A_246 : vector<256xf32> to vector<1x256xf32>
    %ge3A_248 = vector.broadcast %broadcast_in_dim3A_247 : vector<1x256xf32> to vector<400x256xf32>
    %ge3A_249 = arith.cmpf oge, %select_n3A_244, %ge3A_248 : vector<400x256xf32>
    %jit3A_250 = arith.constant -3.000000e+38 : f32
    %broadcast_in_dim3A_251 = vector.broadcast %jit3A_250 : f32 to vector<400x256xf32>
    %select_n3A_252 = arith.select %ge3A_249, %broadcast_in_dim3A_251, %select_n3A_244 : vector<400x256xi1>, vector<400x256xf32>
    %reduce_max3A_253 = arith.constant dense<0xFF800000> : vector<256xf32>
    %reduce_max3A_254 = vector.multi_reduction <maximumf>, %select_n3A_252, %reduce_max3A_253 [0] : vector<400x256xf32> to vector<256xf32>
    %broadcast_in_dim3A_255 = vector.shape_cast %reduce_max3A_254 : vector<256xf32> to vector<1x256xf32>
    %ge3A_256 = vector.broadcast %broadcast_in_dim3A_255 : vector<1x256xf32> to vector<400x256xf32>
    %ge3A_257 = arith.cmpf oge, %select_n3A_252, %ge3A_256 : vector<400x256xf32>
    %jit3A_258 = arith.constant -3.000000e+38 : f32
    %broadcast_in_dim3A_259 = vector.broadcast %jit3A_258 : f32 to vector<400x256xf32>
    %select_n3A_260 = arith.select %ge3A_257, %broadcast_in_dim3A_259, %select_n3A_252 : vector<400x256xi1>, vector<400x256xf32>
    %reduce_max3A_261 = arith.constant dense<0xFF800000> : vector<256xf32>
    %reduce_max3A_262 = vector.multi_reduction <maximumf>, %select_n3A_260, %reduce_max3A_261 [0] : vector<400x256xf32> to vector<256xf32>
    %broadcast_in_dim3A_263 = vector.shape_cast %reduce_max3A_262 : vector<256xf32> to vector<1x256xf32>
    %ge3A_264 = vector.broadcast %broadcast_in_dim3A_263 : vector<1x256xf32> to vector<400x256xf32>
    %ge3A_265 = arith.cmpf oge, %select_n3A_260, %ge3A_264 : vector<400x256xf32>
    %jit3A_266 = arith.constant -3.000000e+38 : f32
    %broadcast_in_dim3A_267 = vector.broadcast %jit3A_266 : f32 to vector<400x256xf32>
    %select_n3A_268 = arith.select %ge3A_265, %broadcast_in_dim3A_267, %select_n3A_260 : vector<400x256xi1>, vector<400x256xf32>
    %reduce_max3A_269 = arith.constant dense<0xFF800000> : vector<256xf32>
    %reduce_max3A_270 = vector.multi_reduction <maximumf>, %select_n3A_268, %reduce_max3A_269 [0] : vector<400x256xf32> to vector<256xf32>
    %broadcast_in_dim3A_271 = vector.shape_cast %reduce_max3A_270 : vector<256xf32> to vector<1x256xf32>
    %ge3A_272 = vector.broadcast %broadcast_in_dim3A_271 : vector<1x256xf32> to vector<400x256xf32>
    %ge3A_273 = arith.cmpf oge, %select_n3A_268, %ge3A_272 : vector<400x256xf32>
    %jit3A_274 = arith.constant -3.000000e+38 : f32
    %broadcast_in_dim3A_275 = vector.broadcast %jit3A_274 : f32 to vector<400x256xf32>
    %select_n3A_276 = arith.select %ge3A_273, %broadcast_in_dim3A_275, %select_n3A_268 : vector<400x256xi1>, vector<400x256xf32>
    %reduce_max3A_277 = arith.constant dense<0xFF800000> : vector<256xf32>
    %reduce_max3A_278 = vector.multi_reduction <maximumf>, %select_n3A_276, %reduce_max3A_277 [0] : vector<400x256xf32> to vector<256xf32>
    %broadcast_in_dim3A_279 = vector.shape_cast %reduce_max3A_278 : vector<256xf32> to vector<1x256xf32>
    %ge3A_280 = vector.broadcast %broadcast_in_dim3A_279 : vector<1x256xf32> to vector<400x256xf32>
    %ge3A_281 = arith.cmpf oge, %select_n3A_276, %ge3A_280 : vector<400x256xf32>
    %jit3A_282 = arith.constant -3.000000e+38 : f32
    %broadcast_in_dim3A_283 = vector.broadcast %jit3A_282 : f32 to vector<400x256xf32>
    %select_n3A_284 = arith.select %ge3A_281, %broadcast_in_dim3A_283, %select_n3A_276 : vector<400x256xi1>, vector<400x256xf32>
    %reduce_max3A_285 = arith.constant dense<0xFF800000> : vector<256xf32>
    %reduce_max3A_286 = vector.multi_reduction <maximumf>, %select_n3A_284, %reduce_max3A_285 [0] : vector<400x256xf32> to vector<256xf32>
    %broadcast_in_dim3A_287 = vector.shape_cast %reduce_max3A_286 : vector<256xf32> to vector<1x256xf32>
    %ge3A_288 = vector.broadcast %broadcast_in_dim3A_287 : vector<1x256xf32> to vector<400x256xf32>
    %ge3A_289 = arith.cmpf oge, %select_n3A_284, %ge3A_288 : vector<400x256xf32>
    %jit3A_290 = arith.constant -3.000000e+38 : f32
    %broadcast_in_dim3A_291 = vector.broadcast %jit3A_290 : f32 to vector<400x256xf32>
    %select_n3A_292 = arith.select %ge3A_289, %broadcast_in_dim3A_291, %select_n3A_284 : vector<400x256xi1>, vector<400x256xf32>
    %reduce_max3A_293 = arith.constant dense<0xFF800000> : vector<256xf32>
    %reduce_max3A_294 = vector.multi_reduction <maximumf>, %select_n3A_292, %reduce_max3A_293 [0] : vector<400x256xf32> to vector<256xf32>
    %broadcast_in_dim3A_295 = vector.shape_cast %reduce_max3A_294 : vector<256xf32> to vector<1x256xf32>
    %ge3A_296 = vector.broadcast %broadcast_in_dim3A_295 : vector<1x256xf32> to vector<400x256xf32>
    %ge3A_297 = arith.cmpf oge, %select_n3A_292, %ge3A_296 : vector<400x256xf32>
    %jit3A_298 = arith.constant -3.000000e+38 : f32
    %broadcast_in_dim3A_299 = vector.broadcast %jit3A_298 : f32 to vector<400x256xf32>
    %select_n3A_300 = arith.select %ge3A_297, %broadcast_in_dim3A_299, %select_n3A_292 : vector<400x256xi1>, vector<400x256xf32>
    %reduce_max3A_301 = arith.constant dense<0xFF800000> : vector<256xf32>
    %reduce_max3A_302 = vector.multi_reduction <maximumf>, %select_n3A_300, %reduce_max3A_301 [0] : vector<400x256xf32> to vector<256xf32>
    %broadcast_in_dim3A_303 = vector.shape_cast %reduce_max3A_302 : vector<256xf32> to vector<1x256xf32>
    %ge3A_304 = vector.broadcast %broadcast_in_dim3A_303 : vector<1x256xf32> to vector<400x256xf32>
    %ge3A_305 = arith.cmpf oge, %select_n3A_300, %ge3A_304 : vector<400x256xf32>
    %jit3A_306 = arith.constant -3.000000e+38 : f32
    %broadcast_in_dim3A_307 = vector.broadcast %jit3A_306 : f32 to vector<400x256xf32>
    %select_n3A_308 = arith.select %ge3A_305, %broadcast_in_dim3A_307, %select_n3A_300 : vector<400x256xi1>, vector<400x256xf32>
    %reduce_max3A_309 = arith.constant dense<0xFF800000> : vector<256xf32>
    %reduce_max3A_310 = vector.multi_reduction <maximumf>, %select_n3A_308, %reduce_max3A_309 [0] : vector<400x256xf32> to vector<256xf32>
    %broadcast_in_dim3A_311 = vector.shape_cast %reduce_max3A_310 : vector<256xf32> to vector<1x256xf32>
    %ge3A_312 = vector.broadcast %broadcast_in_dim3A_311 : vector<1x256xf32> to vector<400x256xf32>
    %ge3A_313 = arith.cmpf oge, %select_n3A_308, %ge3A_312 : vector<400x256xf32>
    %jit3A_314 = arith.constant -3.000000e+38 : f32
    %broadcast_in_dim3A_315 = vector.broadcast %jit3A_314 : f32 to vector<400x256xf32>
    %select_n3A_316 = arith.select %ge3A_313, %broadcast_in_dim3A_315, %select_n3A_308 : vector<400x256xi1>, vector<400x256xf32>
    %reduce_max3A_317 = arith.constant dense<0xFF800000> : vector<256xf32>
    %reduce_max3A_318 = vector.multi_reduction <maximumf>, %select_n3A_316, %reduce_max3A_317 [0] : vector<400x256xf32> to vector<256xf32>
    %broadcast_in_dim3A_319 = vector.shape_cast %reduce_max3A_318 : vector<256xf32> to vector<1x256xf32>
    %ge3A_320 = vector.broadcast %broadcast_in_dim3A_319 : vector<1x256xf32> to vector<400x256xf32>
    %ge3A_321 = arith.cmpf oge, %select_n3A_316, %ge3A_320 : vector<400x256xf32>
    %jit3A_322 = arith.constant -3.000000e+38 : f32
    %broadcast_in_dim3A_323 = vector.broadcast %jit3A_322 : f32 to vector<400x256xf32>
    %select_n3A_324 = arith.select %ge3A_321, %broadcast_in_dim3A_323, %select_n3A_316 : vector<400x256xi1>, vector<400x256xf32>
    %reduce_max3A_325 = arith.constant dense<0xFF800000> : vector<256xf32>
    %reduce_max3A_326 = vector.multi_reduction <maximumf>, %select_n3A_324, %reduce_max3A_325 [0] : vector<400x256xf32> to vector<256xf32>
    %broadcast_in_dim3A_327 = vector.shape_cast %reduce_max3A_326 : vector<256xf32> to vector<1x256xf32>
    %ge3A_328 = vector.broadcast %broadcast_in_dim3A_327 : vector<1x256xf32> to vector<400x256xf32>
    %ge3A_329 = arith.cmpf oge, %select_n3A_324, %ge3A_328 : vector<400x256xf32>
    %jit3A_330 = arith.constant -3.000000e+38 : f32
    %broadcast_in_dim3A_331 = vector.broadcast %jit3A_330 : f32 to vector<400x256xf32>
    %select_n3A_332 = arith.select %ge3A_329, %broadcast_in_dim3A_331, %select_n3A_324 : vector<400x256xi1>, vector<400x256xf32>
    %reduce_max3A_333 = arith.constant dense<0xFF800000> : vector<256xf32>
    %reduce_max3A_334 = vector.multi_reduction <maximumf>, %select_n3A_332, %reduce_max3A_333 [0] : vector<400x256xf32> to vector<256xf32>
    %broadcast_in_dim3A_335 = vector.shape_cast %reduce_max3A_334 : vector<256xf32> to vector<1x256xf32>
    %ge3A_336 = vector.broadcast %broadcast_in_dim3A_335 : vector<1x256xf32> to vector<400x256xf32>
    %ge3A_337 = arith.cmpf oge, %select_n3A_332, %ge3A_336 : vector<400x256xf32>
    %jit3A_338 = arith.constant -3.000000e+38 : f32
    %broadcast_in_dim3A_339 = vector.broadcast %jit3A_338 : f32 to vector<400x256xf32>
    %select_n3A_340 = arith.select %ge3A_337, %broadcast_in_dim3A_339, %select_n3A_332 : vector<400x256xi1>, vector<400x256xf32>
    %reduce_max3A_341 = arith.constant dense<0xFF800000> : vector<256xf32>
    %reduce_max3A_342 = vector.multi_reduction <maximumf>, %select_n3A_340, %reduce_max3A_341 [0] : vector<400x256xf32> to vector<256xf32>
    %broadcast_in_dim3A_343 = vector.shape_cast %reduce_max3A_342 : vector<256xf32> to vector<1x256xf32>
    %ge3A_344 = vector.broadcast %broadcast_in_dim3A_343 : vector<1x256xf32> to vector<400x256xf32>
    %ge3A_345 = arith.cmpf oge, %select_n3A_340, %ge3A_344 : vector<400x256xf32>
    %jit3A_346 = arith.constant -3.000000e+38 : f32
    %broadcast_in_dim3A_347 = vector.broadcast %jit3A_346 : f32 to vector<400x256xf32>
    %select_n3A_348 = arith.select %ge3A_345, %broadcast_in_dim3A_347, %select_n3A_340 : vector<400x256xi1>, vector<400x256xf32>
    %reduce_max3A_349 = arith.constant dense<0xFF800000> : vector<256xf32>
    %reduce_max3A_350 = vector.multi_reduction <maximumf>, %select_n3A_348, %reduce_max3A_349 [0] : vector<400x256xf32> to vector<256xf32>
    %broadcast_in_dim3A_351 = vector.shape_cast %reduce_max3A_350 : vector<256xf32> to vector<1x256xf32>
    %ge3A_352 = vector.broadcast %broadcast_in_dim3A_351 : vector<1x256xf32> to vector<400x256xf32>
    %ge3A_353 = arith.cmpf oge, %select_n3A_348, %ge3A_352 : vector<400x256xf32>
    %jit3A_354 = arith.constant -3.000000e+38 : f32
    %broadcast_in_dim3A_355 = vector.broadcast %jit3A_354 : f32 to vector<400x256xf32>
    %select_n3A_356 = arith.select %ge3A_353, %broadcast_in_dim3A_355, %select_n3A_348 : vector<400x256xi1>, vector<400x256xf32>
    %reduce_max3A_357 = arith.constant dense<0xFF800000> : vector<256xf32>
    %reduce_max3A_358 = vector.multi_reduction <maximumf>, %select_n3A_356, %reduce_max3A_357 [0] : vector<400x256xf32> to vector<256xf32>
    %broadcast_in_dim3A_359 = vector.shape_cast %reduce_max3A_358 : vector<256xf32> to vector<1x256xf32>
    %ge3A_360 = vector.broadcast %broadcast_in_dim3A_359 : vector<1x256xf32> to vector<400x256xf32>
    %ge3A_361 = arith.cmpf oge, %select_n3A_356, %ge3A_360 : vector<400x256xf32>
    %jit3A_362 = arith.constant -3.000000e+38 : f32
    %broadcast_in_dim3A_363 = vector.broadcast %jit3A_362 : f32 to vector<400x256xf32>
    %select_n3A_364 = arith.select %ge3A_361, %broadcast_in_dim3A_363, %select_n3A_356 : vector<400x256xi1>, vector<400x256xf32>
    %reduce_max3A_365 = arith.constant dense<0xFF800000> : vector<256xf32>
    %reduce_max3A_366 = vector.multi_reduction <maximumf>, %select_n3A_364, %reduce_max3A_365 [0] : vector<400x256xf32> to vector<256xf32>
    %broadcast_in_dim3A_367 = vector.shape_cast %reduce_max3A_366 : vector<256xf32> to vector<1x256xf32>
    %ge3A_368 = vector.broadcast %broadcast_in_dim3A_367 : vector<1x256xf32> to vector<400x256xf32>
    %ge3A_369 = arith.cmpf oge, %select_n3A_364, %ge3A_368 : vector<400x256xf32>
    %jit3A_370 = arith.constant -3.000000e+38 : f32
    %broadcast_in_dim3A_371 = vector.broadcast %jit3A_370 : f32 to vector<400x256xf32>
    %select_n3A_372 = arith.select %ge3A_369, %broadcast_in_dim3A_371, %select_n3A_364 : vector<400x256xi1>, vector<400x256xf32>
    %reduce_max3A_373 = arith.constant dense<0xFF800000> : vector<256xf32>
    %reduce_max3A_374 = vector.multi_reduction <maximumf>, %select_n3A_372, %reduce_max3A_373 [0] : vector<400x256xf32> to vector<256xf32>
    %broadcast_in_dim3A_375 = vector.shape_cast %reduce_max3A_374 : vector<256xf32> to vector<1x256xf32>
    %ge3A_376 = vector.broadcast %broadcast_in_dim3A_375 : vector<1x256xf32> to vector<400x256xf32>
    %ge3A_377 = arith.cmpf oge, %select_n3A_372, %ge3A_376 : vector<400x256xf32>
    %jit3A_378 = arith.constant -3.000000e+38 : f32
    %broadcast_in_dim3A_379 = vector.broadcast %jit3A_378 : f32 to vector<400x256xf32>
    %select_n3A_380 = arith.select %ge3A_377, %broadcast_in_dim3A_379, %select_n3A_372 : vector<400x256xi1>, vector<400x256xf32>
    %reduce_max3A_381 = arith.constant dense<0xFF800000> : vector<256xf32>
    %reduce_max3A_382 = vector.multi_reduction <maximumf>, %select_n3A_380, %reduce_max3A_381 [0] : vector<400x256xf32> to vector<256xf32>
    %broadcast_in_dim3A_383 = vector.shape_cast %reduce_max3A_382 : vector<256xf32> to vector<1x256xf32>
    %ge3A_384 = vector.broadcast %broadcast_in_dim3A_383 : vector<1x256xf32> to vector<400x256xf32>
    %ge3A_385 = arith.cmpf oge, %select_n3A_380, %ge3A_384 : vector<400x256xf32>
    %jit3A_386 = arith.constant -3.000000e+38 : f32
    %broadcast_in_dim3A_387 = vector.broadcast %jit3A_386 : f32 to vector<400x256xf32>
    %select_n3A_388 = arith.select %ge3A_385, %broadcast_in_dim3A_387, %select_n3A_380 : vector<400x256xi1>, vector<400x256xf32>
    %reduce_max3A_389 = arith.constant dense<0xFF800000> : vector<256xf32>
    %reduce_max3A_390 = vector.multi_reduction <maximumf>, %select_n3A_388, %reduce_max3A_389 [0] : vector<400x256xf32> to vector<256xf32>
    %broadcast_in_dim3A_391 = vector.shape_cast %reduce_max3A_390 : vector<256xf32> to vector<1x256xf32>
    %ge3A_392 = vector.broadcast %broadcast_in_dim3A_391 : vector<1x256xf32> to vector<400x256xf32>
    %ge3A_393 = arith.cmpf oge, %select_n3A_388, %ge3A_392 : vector<400x256xf32>
    %jit3A_394 = arith.constant -3.000000e+38 : f32
    %broadcast_in_dim3A_395 = vector.broadcast %jit3A_394 : f32 to vector<400x256xf32>
    %select_n3A_396 = arith.select %ge3A_393, %broadcast_in_dim3A_395, %select_n3A_388 : vector<400x256xi1>, vector<400x256xf32>
    %reduce_max3A_397 = arith.constant dense<0xFF800000> : vector<256xf32>
    %reduce_max3A_398 = vector.multi_reduction <maximumf>, %select_n3A_396, %reduce_max3A_397 [0] : vector<400x256xf32> to vector<256xf32>
    %broadcast_in_dim3A_399 = vector.shape_cast %reduce_max3A_398 : vector<256xf32> to vector<1x256xf32>
    %add3A = arith.addf %broadcast_in_dim3A_391, %broadcast_in_dim3A_399 : vector<1x256xf32>
    %mul3A = arith.constant 5.000000e-01 : f32
    %mul3A_400 = vector.broadcast %mul3A : f32 to vector<1x256xf32>
    %mul3A_401 = arith.mulf %mul3A_400, %add3A : vector<1x256xf32>
    %max3A = arith.constant 1.500000e-01 : f32
    %max3A_402 = vector.broadcast %max3A : f32 to vector<1x256xf32>
    %max3A_403 = arith.maximumf %mul3A_401, %max3A_402 : vector<1x256xf32>
    %get3A_404 = arith.constant 0 : index
    %get3A_405 = arith.constant 0 : index
    %get3A_406 = vector.load %arg2[%get3A_404, %get3A_405] : memref<256x128xf32, #tpu.memory_space<vmem>>, vector<256x128xf32>
    %get3A_407 = arith.constant 0 : index
    %get3A_408 = arith.constant 0 : index
    %get3A_409 = vector.load %arg3[%get3A_407, %get3A_408] : memref<128x256xf32, #tpu.memory_space<vmem>>, vector<128x256xf32>
    %dot_general3A = arith.constant dense<0.000000e+00> : vector<256x256xf32>
    %dot_general3A_410 = tpu.matmul %get3A_406, %get3A_409, %dot_general3A {dimension_numbers = #tpu.dot_dimension_numbers<[1], [0], [0], [1], [0, 0, 1, 1], [], []>, precision = #tpu.contract_precision<fp32>, transpose_lhs_hint = false} : vector<256x128xf32>, vector<128x256xf32>, vector<256x256xf32> -> vector<256x256xf32>
    %sign3A = tpu.bitcast %get3A_406 : vector<256x128xf32> -> vector<256x128xi32>
    %sign3A_411 = arith.constant -2147483648 : i32
    %sign3A_412 = vector.broadcast %sign3A_411 : i32 to vector<256x128xi32>
    %sign3A_413 = arith.andi %sign3A, %sign3A_412 : vector<256x128xi32>
    %sign3A_414 = arith.constant 1065353216 : i32
    %sign3A_415 = vector.broadcast %sign3A_414 : i32 to vector<256x128xi32>
    %sign3A_416 = arith.ori %sign3A_415, %sign3A_413 : vector<256x128xi32>
    %sign3A_417 = tpu.bitcast %sign3A_416 : vector<256x128xi32> -> vector<256x128xf32>
    %sign3A_418 = math.absf %get3A_406 : vector<256x128xf32>
    %sign3A_419 = arith.constant 0.000000e+00 : f32
    %sign3A_420 = vector.broadcast %sign3A_419 : f32 to vector<256x128xf32>
    %sign3A_421 = arith.cmpf ogt, %sign3A_418, %sign3A_420 : vector<256x128xf32>
    %sign3A_422 = arith.select %sign3A_421, %sign3A_417, %get3A_406 : vector<256x128xi1>, vector<256x128xf32>
    %get3A_423 = arith.constant 0 : index
    %get3A_424 = arith.constant 0 : index
    %get3A_425 = vector.load %arg4[%get3A_423, %get3A_424] : memref<128x256xf32, #tpu.memory_space<vmem>>, vector<128x256xf32>
    %dot_general3A_426 = arith.constant dense<0.000000e+00> : vector<256x256xf32>
    %dot_general3A_427 = tpu.matmul %sign3A_422, %get3A_425, %dot_general3A_426 {dimension_numbers = #tpu.dot_dimension_numbers<[1], [0], [0], [1], [0, 0, 1, 1], [], []>, precision = #tpu.contract_precision<fp32>, transpose_lhs_hint = false} : vector<256x128xf32>, vector<128x256xf32>, vector<256x256xf32> -> vector<256x256xf32>
    %iota3A = tpu.iota {dimensions = array<i32: 0>} : vector<256x256xi32>
    %iota3A_428 = tpu.iota {dimensions = array<i32: 1>} : vector<256x256xi32>
    %eq3A = arith.cmpi eq, %iota3A, %iota3A_428 : vector<256x256xi32>
    %jit3A_429 = arith.constant 0.000000e+00 : f32
    %broadcast_in_dim3A_430 = vector.broadcast %jit3A_429 : f32 to vector<256x256xf32>
    %select_n3A_431 = arith.select %eq3A, %dot_general3A_410, %broadcast_in_dim3A_430 : vector<256x256xi1>, vector<256x256xf32>
    %reduce_sum3A = arith.constant dense<0.000000e+00> : vector<256xf32>
    %reduce_sum3A_432 = vector.multi_reduction <add>, %select_n3A_431, %reduce_sum3A [0] : vector<256x256xf32> to vector<256xf32>
    %broadcast_in_dim3A_433 = vector.shape_cast %reduce_sum3A_432 : vector<256xf32> to vector<1x256xf32>
    %jit3A_434 = arith.constant 0.000000e+00 : f32
    %broadcast_in_dim3A_435 = vector.broadcast %jit3A_434 : f32 to vector<256x256xf32>
    %select_n3A_436 = arith.select %eq3A, %dot_general3A_427, %broadcast_in_dim3A_435 : vector<256x256xi1>, vector<256x256xf32>
    %reduce_sum3A_437 = arith.constant dense<0.000000e+00> : vector<256xf32>
    %reduce_sum3A_438 = vector.multi_reduction <add>, %select_n3A_436, %reduce_sum3A_437 [0] : vector<256x256xf32> to vector<256xf32>
    %broadcast_in_dim3A_439 = vector.shape_cast %reduce_sum3A_438 : vector<256xf32> to vector<1x256xf32>
    %swap3A = arith.constant 0 : index
    %swap3A_440 = arith.constant 0 : index
    %swap3A_441 = vector.load %arg5[%swap3A, %swap3A_440] : memref<8x256xf32, #tpu.memory_space<vmem>>, vector<1x256xf32>
    tpu.vector_store %arg5[%swap3A, %swap3A_440], %mul3A_401 {strides = array<i32>} : memref<8x256xf32, #tpu.memory_space<vmem>>, vector<1x256xf32>,
    %swap3A_442 = arith.constant 1 : index
    %swap3A_443 = arith.constant 0 : index
    %swap3A_444 = vector.load %arg5[%swap3A_442, %swap3A_443] : memref<8x256xf32, #tpu.memory_space<vmem>>, vector<1x256xf32>
    tpu.vector_store %arg5[%swap3A_442, %swap3A_443], %max3A_403 {strides = array<i32>} : memref<8x256xf32, #tpu.memory_space<vmem>>, vector<1x256xf32>,
    %swap3A_445 = arith.constant 2 : index
    %swap3A_446 = arith.constant 0 : index
    %swap3A_447 = vector.load %arg5[%swap3A_445, %swap3A_446] : memref<8x256xf32, #tpu.memory_space<vmem>>, vector<1x256xf32>
    tpu.vector_store %arg5[%swap3A_445, %swap3A_446], %broadcast_in_dim3A_433 {strides = array<i32>} : memref<8x256xf32, #tpu.memory_space<vmem>>, vector<1x256xf32>,
    %swap3A_448 = arith.constant 3 : index
    %swap3A_449 = arith.constant 0 : index
    %swap3A_450 = vector.load %arg5[%swap3A_448, %swap3A_449] : memref<8x256xf32, #tpu.memory_space<vmem>>, vector<1x256xf32>
    tpu.vector_store %arg5[%swap3A_448, %swap3A_449], %broadcast_in_dim3A_439 {strides = array<i32>} : memref<8x256xf32, #tpu.memory_space<vmem>>, vector<1x256xf32>,
    return
  }
  func.func @transform_0(%arg0: i32) -> (i32, i32) {
    %c0_i32 = arith.constant 0 : i32
    %c0_i32_0 = arith.constant 0 : i32
    %c0_i32_1 = arith.constant 0 : i32
    return %c0_i32, %c0_i32_0 : i32, i32
  }
  func.func @transform_1(%arg0: i32) -> (i32, i32) {
    %c0_i32 = arith.constant 0 : i32
    %c0_i32_0 = arith.constant 0 : i32
    %c0_i32_1 = arith.constant 0 : i32
    return %c0_i32, %c0_i32_0 : i32, i32
  }
  func.func @transform_2(%arg0: i32) -> (i32, i32) {
    %c0_i32 = arith.constant 0 : i32
    %c0_i32_0 = arith.constant 0 : i32
    %c0_i32_1 = arith.constant 0 : i32
    return %c0_i32, %c0_i32_0 : i32, i32
  }
  func.func @transform_3(%arg0: i32) -> (i32, i32) {
    %c0_i32 = arith.constant 0 : i32
    %c0_i32_0 = arith.constant 0 : i32
    %c0_i32_1 = arith.constant 0 : i32
    return %c0_i32, %c0_i32_0 : i32, i32
  }
  func.func @transform_4(%arg0: i32) -> (i32, i32) {
    %c0_i32 = arith.constant 0 : i32
    %c0_i32_0 = arith.constant 0 : i32
    %c0_i32_1 = arith.constant 0 : i32
    return %c0_i32, %c0_i32_0 : i32, i32
  }
}

module attributes {stable_mosaic.version = 14 : i64} {
  func.func @_main_kernel(%arg0: i32, %arg1: memref<2000x128xf32, #tpu.memory_space<vmem>>, %arg2: memref<128x256xf32, #tpu.memory_space<vmem>>, %arg3: memref<128x256xf32, #tpu.memory_space<vmem>>, %arg4: memref<8x256xf32, #tpu.memory_space<vmem>>, %arg5: memref<1x256xf32, #tpu.memory_space<vmem>>, %arg6: memref<1x1xf32, #tpu.memory_space<vmem>>, %arg7: memref<8x256xf32, #tpu.memory_space<vmem>>) attributes {dimension_semantics = [#tpu.dimension_semantics<arbitrary>], iteration_bounds = array<i64: 50>, scalar_prefetch = 0 : i64, scratch_operands = 1 : i64, tpu.core_type = #tpu.core_type<tc>, window_params = [{transform_indices = @transform_0, window_bounds = array<i64: 2000, 128>}, {pipeline_mode = #tpu.pipeline_mode<synchronous>, transform_indices = @transform_1, window_bounds = array<i64: 128, 256>}, {pipeline_mode = #tpu.pipeline_mode<synchronous>, transform_indices = @transform_2, window_bounds = array<i64: 128, 256>}, {pipeline_mode = #tpu.pipeline_mode<synchronous>, transform_indices = @transform_3, window_bounds = array<i64: 8, 256>}, {pipeline_mode = #tpu.pipeline_mode<synchronous>, transform_indices = @transform_4, window_bounds = array<i64: 1, 256>}, {pipeline_mode = #tpu.pipeline_mode<synchronous>, transform_indices = @transform_5, window_bounds = array<i64: 1, 1>}]} {
    %eq3A = arith.constant 0 : i32
    %eq3A_0 = arith.cmpi eq, %arg0, %eq3A : i32
    %convert_element_type3A = arith.extui %eq3A_0 : i1 to i32
    %cond3A = arith.constant 0 : i32
    %cond3A_1 = arith.cmpi ne, %convert_element_type3A, %cond3A : i32
    scf.if %cond3A_1 {
      %broadcast_in_dim3A_75 = arith.constant 0.000000e+00 : f32
      %broadcast_in_dim3A_76 = vector.broadcast %broadcast_in_dim3A_75 : f32 to vector<8x256xf32>
      %swap3A_77 = arith.constant 0 : index
      %swap3A_78 = arith.constant 0 : index
      %swap3A_79 = vector.load %arg7[%swap3A_77, %swap3A_78] : memref<8x256xf32, #tpu.memory_space<vmem>>, vector<8x256xf32>
      tpu.vector_store %arg7[%swap3A_77, %swap3A_78], %broadcast_in_dim3A_76 {strides = array<i32>} : memref<8x256xf32, #tpu.memory_space<vmem>>, vector<8x256xf32>,
    } else {
    }
    %get3A = arith.constant 0 : index
    %get3A_2 = arith.constant 0 : index
    %get3A_3 = vector.load %arg1[%get3A, %get3A_2] : memref<2000x128xf32, #tpu.memory_space<vmem>>, vector<2000x128xf32>
    %get3A_4 = arith.constant 0 : index
    %get3A_5 = arith.constant 0 : index
    %get3A_6 = vector.load %arg2[%get3A_4, %get3A_5] : memref<128x256xf32, #tpu.memory_space<vmem>>, vector<128x256xf32>
    %dot_general3A = arith.constant dense<0.000000e+00> : vector<2000x256xf32>
    %dot_general3A_7 = tpu.matmul %get3A_3, %get3A_6, %dot_general3A {dimension_numbers = #tpu.dot_dimension_numbers<[1], [0], [0], [1], [0, 0, 1, 1], [], []>, precision = #tpu.contract_precision<fp32>, transpose_lhs_hint = false} : vector<2000x128xf32>, vector<128x256xf32>, vector<2000x256xf32> -> vector<2000x256xf32>
    %sign3A = tpu.bitcast %get3A_3 : vector<2000x128xf32> -> vector<2000x128xi32>
    %sign3A_8 = arith.constant -2147483648 : i32
    %sign3A_9 = vector.broadcast %sign3A_8 : i32 to vector<2000x128xi32>
    %sign3A_10 = arith.andi %sign3A, %sign3A_9 : vector<2000x128xi32>
    %sign3A_11 = arith.constant 1065353216 : i32
    %sign3A_12 = vector.broadcast %sign3A_11 : i32 to vector<2000x128xi32>
    %sign3A_13 = arith.ori %sign3A_12, %sign3A_10 : vector<2000x128xi32>
    %sign3A_14 = tpu.bitcast %sign3A_13 : vector<2000x128xi32> -> vector<2000x128xf32>
    %sign3A_15 = math.absf %get3A_3 : vector<2000x128xf32>
    %sign3A_16 = arith.constant 0.000000e+00 : f32
    %sign3A_17 = vector.broadcast %sign3A_16 : f32 to vector<2000x128xf32>
    %sign3A_18 = arith.cmpf ogt, %sign3A_15, %sign3A_17 : vector<2000x128xf32>
    %sign3A_19 = arith.select %sign3A_18, %sign3A_14, %get3A_3 : vector<2000x128xi1>, vector<2000x128xf32>
    %get3A_20 = arith.constant 0 : index
    %get3A_21 = arith.constant 0 : index
    %get3A_22 = vector.load %arg3[%get3A_20, %get3A_21] : memref<128x256xf32, #tpu.memory_space<vmem>>, vector<128x256xf32>
    %dot_general3A_23 = arith.constant dense<0.000000e+00> : vector<2000x256xf32>
    %dot_general3A_24 = tpu.matmul %sign3A_19, %get3A_22, %dot_general3A_23 {dimension_numbers = #tpu.dot_dimension_numbers<[1], [0], [0], [1], [0, 0, 1, 1], [], []>, precision = #tpu.contract_precision<fp32>, transpose_lhs_hint = false} : vector<2000x128xf32>, vector<128x256xf32>, vector<2000x256xf32> -> vector<2000x256xf32>
    %exp3A = math.exp %dot_general3A_24 : vector<2000x256xf32>
    %get3A_25 = arith.constant 0 : index
    %get3A_26 = arith.constant 0 : index
    %get3A_27 = vector.load %arg5[%get3A_25, %get3A_26] : memref<1x256xf32, #tpu.memory_space<vmem>>, vector<1x256xf32>
    %get3A_28 = arith.constant 1 : index
    %get3A_29 = arith.constant 0 : index
    %get3A_30 = vector.load %arg4[%get3A_28, %get3A_29] : memref<8x256xf32, #tpu.memory_space<vmem>>, vector<1x256xf32>
    %ge3A = vector.broadcast %get3A_27 : vector<1x256xf32> to vector<2000x256xf32>
    %ge3A_31 = arith.cmpf oge, %dot_general3A_7, %ge3A : vector<2000x256xf32>
    %gt3A = vector.broadcast %get3A_30 : vector<1x256xf32> to vector<2000x256xf32>
    %gt3A_32 = arith.cmpf ogt, %dot_general3A_7, %gt3A : vector<2000x256xf32>
    %jit3A = arith.constant 1.000000e+00 : f32
    %jit3A_33 = arith.constant 0.000000e+00 : f32
    %broadcast_in_dim3A = vector.broadcast %jit3A : f32 to vector<2000x256xf32>
    %broadcast_in_dim3A_34 = vector.broadcast %jit3A_33 : f32 to vector<2000x256xf32>
    %select_n3A = arith.select %ge3A_31, %broadcast_in_dim3A, %broadcast_in_dim3A_34 : vector<2000x256xi1>, vector<2000x256xf32>
    %reduce_sum3A = arith.constant dense<0.000000e+00> : vector<256xf32>
    %reduce_sum3A_35 = vector.multi_reduction <add>, %select_n3A, %reduce_sum3A [0] : vector<2000x256xf32> to vector<256xf32>
    %broadcast_in_dim3A_36 = vector.shape_cast %reduce_sum3A_35 : vector<256xf32> to vector<1x256xf32>
    %jit3A_37 = arith.constant 0.000000e+00 : f32
    %broadcast_in_dim3A_38 = vector.broadcast %jit3A_37 : f32 to vector<2000x256xf32>
    %select_n3A_39 = arith.select %ge3A_31, %exp3A, %broadcast_in_dim3A_38 : vector<2000x256xi1>, vector<2000x256xf32>
    %reduce_sum3A_40 = arith.constant dense<0.000000e+00> : vector<256xf32>
    %reduce_sum3A_41 = vector.multi_reduction <add>, %select_n3A_39, %reduce_sum3A_40 [0] : vector<2000x256xf32> to vector<256xf32>
    %broadcast_in_dim3A_42 = vector.shape_cast %reduce_sum3A_41 : vector<256xf32> to vector<1x256xf32>
    %jit3A_43 = arith.constant 1.000000e+00 : f32
    %jit3A_44 = arith.constant 0.000000e+00 : f32
    %broadcast_in_dim3A_45 = vector.broadcast %jit3A_43 : f32 to vector<2000x256xf32>
    %broadcast_in_dim3A_46 = vector.broadcast %jit3A_44 : f32 to vector<2000x256xf32>
    %select_n3A_47 = arith.select %gt3A_32, %broadcast_in_dim3A_45, %broadcast_in_dim3A_46 : vector<2000x256xi1>, vector<2000x256xf32>
    %reduce_sum3A_48 = arith.constant dense<0.000000e+00> : vector<256xf32>
    %reduce_sum3A_49 = vector.multi_reduction <add>, %select_n3A_47, %reduce_sum3A_48 [0] : vector<2000x256xf32> to vector<256xf32>
    %broadcast_in_dim3A_50 = vector.shape_cast %reduce_sum3A_49 : vector<256xf32> to vector<1x256xf32>
    %mul3A = arith.mulf %dot_general3A_24, %exp3A : vector<2000x256xf32>
    %jit3A_51 = arith.constant 0.000000e+00 : f32
    %broadcast_in_dim3A_52 = vector.broadcast %jit3A_51 : f32 to vector<2000x256xf32>
    %select_n3A_53 = arith.select %gt3A_32, %mul3A, %broadcast_in_dim3A_52 : vector<2000x256xi1>, vector<2000x256xf32>
    %reduce_sum3A_54 = arith.constant dense<0.000000e+00> : vector<256xf32>
    %reduce_sum3A_55 = vector.multi_reduction <add>, %select_n3A_53, %reduce_sum3A_54 [0] : vector<2000x256xf32> to vector<256xf32>
    %broadcast_in_dim3A_56 = vector.shape_cast %reduce_sum3A_55 : vector<256xf32> to vector<1x256xf32>
    %jit3A_57 = arith.constant 0.000000e+00 : f32
    %broadcast_in_dim3A_58 = vector.broadcast %jit3A_57 : f32 to vector<2000x256xf32>
    %select_n3A_59 = arith.select %gt3A_32, %exp3A, %broadcast_in_dim3A_58 : vector<2000x256xi1>, vector<2000x256xf32>
    %reduce_sum3A_60 = arith.constant dense<0.000000e+00> : vector<256xf32>
    %reduce_sum3A_61 = vector.multi_reduction <add>, %select_n3A_59, %reduce_sum3A_60 [0] : vector<2000x256xf32> to vector<256xf32>
    %broadcast_in_dim3A_62 = vector.shape_cast %reduce_sum3A_61 : vector<256xf32> to vector<1x256xf32>
    %broadcast_in_dim3A_63 = arith.constant 0.000000e+00 : f32
    %broadcast_in_dim3A_64 = vector.broadcast %broadcast_in_dim3A_63 : f32 to vector<3x256xf32>
    %concatenate3A = tpu.concatenate %broadcast_in_dim3A_36, %broadcast_in_dim3A_42, %broadcast_in_dim3A_50, %broadcast_in_dim3A_56, %broadcast_in_dim3A_62, %broadcast_in_dim3A_64 in 0 : vector<1x256xf32>, vector<1x256xf32>, vector<1x256xf32>, vector<1x256xf32>, vector<1x256xf32>, vector<3x256xf32> -> vector<8x256xf32>
    %get3A_65 = arith.constant 0 : index
    %get3A_66 = arith.constant 0 : index
    %get3A_67 = vector.load %arg7[%get3A_65, %get3A_66] : memref<8x256xf32, #tpu.memory_space<vmem>>, vector<8x256xf32>
    %add3A = arith.addf %get3A_67, %concatenate3A : vector<8x256xf32>
    %swap3A = arith.constant 0 : index
    %swap3A_68 = arith.constant 0 : index
    %swap3A_69 = vector.load %arg7[%swap3A, %swap3A_68] : memref<8x256xf32, #tpu.memory_space<vmem>>, vector<8x256xf32>
    tpu.vector_store %arg7[%swap3A, %swap3A_68], %add3A {strides = array<i32>} : memref<8x256xf32, #tpu.memory_space<vmem>>, vector<8x256xf32>,
    %eq3A_70 = arith.constant 49 : i32
    %eq3A_71 = arith.cmpi eq, %arg0, %eq3A_70 : i32
    %convert_element_type3A_72 = arith.extui %eq3A_71 : i1 to i32
    %cond3A_73 = arith.constant 0 : i32
    %cond3A_74 = arith.cmpi ne, %convert_element_type3A_72, %cond3A_73 : i32
    scf.if %cond3A_74 {
      %get3A_75 = arith.constant 0 : index
      %get3A_76 = arith.constant 0 : index
      %get3A_77 = vector.load %arg7[%get3A_75, %get3A_76] : memref<8x256xf32, #tpu.memory_space<vmem>>, vector<8x256xf32>
      %slice3A = vector.extract_strided_slice %get3A_77 {offsets = [0, 0], sizes = [1, 256], strides = [1, 1]} : vector<8x256xf32> to vector<1x256xf32>
      %slice3A_78 = vector.extract_strided_slice %get3A_77 {offsets = [1, 0], sizes = [1, 256], strides = [1, 1]} : vector<8x256xf32> to vector<1x256xf32>
      %slice3A_79 = vector.extract_strided_slice %get3A_77 {offsets = [2, 0], sizes = [1, 256], strides = [1, 1]} : vector<8x256xf32> to vector<1x256xf32>
      %slice3A_80 = vector.extract_strided_slice %get3A_77 {offsets = [3, 0], sizes = [1, 256], strides = [1, 1]} : vector<8x256xf32> to vector<1x256xf32>
      %slice3A_81 = vector.extract_strided_slice %get3A_77 {offsets = [4, 0], sizes = [1, 256], strides = [1, 1]} : vector<8x256xf32> to vector<1x256xf32>
      %get3A_82 = arith.constant 2 : index
      %get3A_83 = arith.constant 0 : index
      %get3A_84 = vector.load %arg4[%get3A_82, %get3A_83] : memref<8x256xf32, #tpu.memory_space<vmem>>, vector<1x256xf32>
      %get3A_85 = arith.constant 3 : index
      %get3A_86 = arith.constant 0 : index
      %get3A_87 = vector.load %arg4[%get3A_85, %get3A_86] : memref<8x256xf32, #tpu.memory_space<vmem>>, vector<1x256xf32>
      %exp3A_88 = math.exp %get3A_87 : vector<1x256xf32>
      %ge3A_89 = arith.cmpf oge, %get3A_84, %get3A_27 : vector<1x256xf32>
      %jit3A_90 = arith.constant 1.000000e+00 : f32
      %jit3A_91 = arith.constant 0.000000e+00 : f32
      %broadcast_in_dim3A_92 = vector.broadcast %jit3A_90 : f32 to vector<1x256xf32>
      %broadcast_in_dim3A_93 = vector.broadcast %jit3A_91 : f32 to vector<1x256xf32>
      %select_n3A_94 = arith.select %ge3A_89, %broadcast_in_dim3A_92, %broadcast_in_dim3A_93 : vector<1x256xi1>, vector<1x256xf32>
      %gt3A_95 = arith.cmpf ogt, %get3A_84, %get3A_30 : vector<1x256xf32>
      %jit3A_96 = arith.constant 1.000000e+00 : f32
      %jit3A_97 = arith.constant 0.000000e+00 : f32
      %broadcast_in_dim3A_98 = vector.broadcast %jit3A_96 : f32 to vector<1x256xf32>
      %broadcast_in_dim3A_99 = vector.broadcast %jit3A_97 : f32 to vector<1x256xf32>
      %select_n3A_100 = arith.select %gt3A_95, %broadcast_in_dim3A_98, %broadcast_in_dim3A_99 : vector<1x256xi1>, vector<1x256xf32>
      %sub3A = arith.subf %slice3A_79, %select_n3A_100 : vector<1x256xf32>
      %mul3A_101 = arith.mulf %select_n3A_100, %get3A_87 : vector<1x256xf32>
      %mul3A_102 = arith.mulf %mul3A_101, %exp3A_88 : vector<1x256xf32>
      %sub3A_103 = arith.subf %slice3A_80, %mul3A_102 : vector<1x256xf32>
      %mul3A_104 = arith.mulf %select_n3A_100, %exp3A_88 : vector<1x256xf32>
      %sub3A_105 = arith.subf %slice3A_81, %mul3A_104 : vector<1x256xf32>
      %mul3A_106 = arith.mulf %select_n3A_94, %exp3A_88 : vector<1x256xf32>
      %sub3A_107 = arith.subf %slice3A, %sub3A : vector<1x256xf32>
      %sub3A_108 = arith.subf %sub3A_107, %select_n3A_94 : vector<1x256xf32>
      %sub3A_109 = arith.subf %slice3A_78, %sub3A_105 : vector<1x256xf32>
      %sub3A_110 = arith.subf %sub3A_109, %mul3A_106 : vector<1x256xf32>
      %mul3A_111 = arith.constant 2.500000e+03 : f32
      %mul3A_112 = vector.broadcast %mul3A_111 : f32 to vector<1x256xf32>
      %mul3A_113 = arith.mulf %mul3A_112, %sub3A_110 : vector<1x256xf32>
      %div3A = arith.divf %mul3A_113, %sub3A_108 : vector<1x256xf32>
      %add3A_114 = arith.addf %exp3A_88, %div3A : vector<1x256xf32>
      %add3A_115 = arith.addf %exp3A_88, %sub3A_103 : vector<1x256xf32>
      %div3A_116 = arith.divf %add3A_115, %add3A_114 : vector<1x256xf32>
      %log3A = math.log %div3A_116 : vector<1x256xf32>
      %neg3A = arith.constant 0.000000e+00 : f32
      %neg3A_117 = vector.broadcast %neg3A : f32 to vector<1x256xf32>
      %neg3A_118 = arith.subf %neg3A_117, %log3A : vector<1x256xf32>
      %add3A_119 = arith.constant 1.000000e+00 : f32
      %add3A_120 = vector.broadcast %add3A_119 : f32 to vector<1x256xf32>
      %add3A_121 = arith.addf %add3A_120, %sub3A : vector<1x256xf32>
      %div3A_122 = arith.divf %neg3A_118, %add3A_121 : vector<1x256xf32>
      %reduce_sum3A_123 = arith.constant dense<0.000000e+00> : vector<1xf32>
      %reduce_sum3A_124 = vector.multi_reduction <add>, %div3A_122, %reduce_sum3A_123 [1] : vector<1x256xf32> to vector<1xf32>
      %broadcast_in_dim3A_125 = vector.shape_cast %reduce_sum3A_124 : vector<1xf32> to vector<1x1xf32>
      %div3A_126 = arith.constant 2.560000e+02 : f32
      %div3A_127 = vector.broadcast %div3A_126 : f32 to vector<1x1xf32>
      %div3A_128 = arith.divf %broadcast_in_dim3A_125, %div3A_127 : vector<1x1xf32>
      %swap3A_129 = arith.constant 0 : index
      %swap3A_130 = arith.constant 0 : index
      %swap3A_131 = vector.load %arg6[%swap3A_129, %swap3A_130] : memref<1x1xf32, #tpu.memory_space<vmem>>, vector<1x1xf32>
      tpu.vector_store %arg6[%swap3A_129, %swap3A_130], %div3A_128 {strides = array<i32>} : memref<1x1xf32, #tpu.memory_space<vmem>>, vector<1x1xf32>,
    } else {
    }
    return
  }
  func.func @transform_0(%arg0: i32) -> (i32, i32) {
    %c0_i32 = arith.constant 0 : i32
    %c0_i32_0 = arith.constant 0 : i32
    return %arg0, %c0_i32 : i32, i32
  }
  func.func @transform_1(%arg0: i32) -> (i32, i32) {
    %c0_i32 = arith.constant 0 : i32
    %c0_i32_0 = arith.constant 0 : i32
    %c0_i32_1 = arith.constant 0 : i32
    return %c0_i32, %c0_i32_0 : i32, i32
  }
  func.func @transform_2(%arg0: i32) -> (i32, i32) {
    %c0_i32 = arith.constant 0 : i32
    %c0_i32_0 = arith.constant 0 : i32
    %c0_i32_1 = arith.constant 0 : i32
    return %c0_i32, %c0_i32_0 : i32, i32
  }
  func.func @transform_3(%arg0: i32) -> (i32, i32) {
    %c0_i32 = arith.constant 0 : i32
    %c0_i32_0 = arith.constant 0 : i32
    %c0_i32_1 = arith.constant 0 : i32
    return %c0_i32, %c0_i32_0 : i32, i32
  }
  func.func @transform_4(%arg0: i32) -> (i32, i32) {
    %c0_i32 = arith.constant 0 : i32
    %c0_i32_0 = arith.constant 0 : i32
    %c0_i32_1 = arith.constant 0 : i32
    return %c0_i32, %c0_i32_0 : i32, i32
  }
  func.func @transform_5(%arg0: i32) -> (i32, i32) {
    %c0_i32 = arith.constant 0 : i32
    %c0_i32_0 = arith.constant 0 : i32
    %c0_i32_1 = arith.constant 0 : i32
    return %c0_i32, %c0_i32_0 : i32, i32
  }
}

module attributes {stable_mosaic.version = 14 : i64} {
  func.func @_cand_kernel(%arg0: i32, %arg1: memref<2000x128xf32, #tpu.memory_space<vmem>>, %arg2: memref<128x256xf32, #tpu.memory_space<vmem>>, %arg3: memref<1x8x256xf32, #tpu.memory_space<vmem>>, %arg4: memref<1x256xf32, #tpu.memory_space<vmem>>) attributes {dimension_semantics = [#tpu.dimension_semantics<arbitrary>], iteration_bounds = array<i64: 50>, scalar_prefetch = 0 : i64, scratch_operands = 0 : i64, tpu.core_type = #tpu.core_type<tc>, window_params = [{transform_indices = @transform_0, window_bounds = array<i64: 2000, 128>}, {pipeline_mode = #tpu.pipeline_mode<synchronous>, transform_indices = @transform_1, window_bounds = array<i64: 128, 256>}, {transform_indices = @transform_2, window_bounds = array<i64: 1, 8, 256>}, {pipeline_mode = #tpu.pipeline_mode<synchronous>, transform_indices = @transform_3, window_bounds = array<i64: 1, 256>}]} {
    %get3A = arith.constant 0 : index
    %get3A_0 = arith.constant 0 : index
    %get3A_1 = vector.load %arg1[%get3A, %get3A_0] : memref<2000x128xf32, #tpu.memory_space<vmem>>, vector<2000x128xf32>
    %get3A_2 = arith.constant 0 : index
    %get3A_3 = arith.constant 0 : index
    %get3A_4 = vector.load %arg2[%get3A_2, %get3A_3] : memref<128x256xf32, #tpu.memory_space<vmem>>, vector<128x256xf32>
    %dot_general3A = arith.constant dense<0.000000e+00> : vector<2000x256xf32>
    %dot_general3A_5 = tpu.matmul %get3A_1, %get3A_4, %dot_general3A {dimension_numbers = #tpu.dot_dimension_numbers<[1], [0], [0], [1], [0, 0, 1, 1], [], []>, precision = #tpu.contract_precision<fp32>, transpose_lhs_hint = false} : vector<2000x128xf32>, vector<128x256xf32>, vector<2000x256xf32> -> vector<2000x256xf32>
    %reshape3A = vector.shape_cast %dot_general3A_5 : vector<2000x256xf32> to vector<2x1000x256xf32>
    %reduce_max3A = arith.constant dense<0xFF800000> : vector<1000x256xf32>
    %reduce_max3A_6 = vector.multi_reduction <maximumf>, %reshape3A, %reduce_max3A [0] : vector<2x1000x256xf32> to vector<1000x256xf32>
    %reduce_max3A_7 = arith.constant dense<0xFF800000> : vector<256xf32>
    %reduce_max3A_8 = vector.multi_reduction <maximumf>, %reduce_max3A_6, %reduce_max3A_7 [0] : vector<1000x256xf32> to vector<256xf32>
    %broadcast_in_dim3A = vector.shape_cast %reduce_max3A_8 : vector<256xf32> to vector<1x256xf32>
    %swap3A = arith.constant 0 : index
    %swap3A_9 = arith.constant 0 : index
    %swap3A_10 = arith.constant 0 : index
    %swap3A_11 = vector.load %arg3[%swap3A, %swap3A_9, %swap3A_10] : memref<1x8x256xf32, #tpu.memory_space<vmem>>, vector<1x1x256xf32>
    %swap3A_12 = vector.shape_cast %swap3A_11 : vector<1x1x256xf32> to vector<1x256xf32>
    %swap3A_13 = vector.shape_cast %broadcast_in_dim3A : vector<1x256xf32> to vector<1x1x256xf32>
    tpu.vector_store %arg3[%swap3A, %swap3A_9, %swap3A_10], %swap3A_13 {strides = array<i32>} : memref<1x8x256xf32, #tpu.memory_space<vmem>>, vector<1x1x256xf32>,
    %ge3A = vector.broadcast %broadcast_in_dim3A : vector<1x256xf32> to vector<1000x256xf32>
    %ge3A_14 = arith.cmpf oge, %reduce_max3A_6, %ge3A : vector<1000x256xf32>
    %jit3A = arith.constant -3.000000e+38 : f32
    %broadcast_in_dim3A_15 = vector.broadcast %jit3A : f32 to vector<1000x256xf32>
    %select_n3A = arith.select %ge3A_14, %broadcast_in_dim3A_15, %reduce_max3A_6 : vector<1000x256xi1>, vector<1000x256xf32>
    %reduce_max3A_16 = arith.constant dense<0xFF800000> : vector<256xf32>
    %reduce_max3A_17 = vector.multi_reduction <maximumf>, %select_n3A, %reduce_max3A_16 [0] : vector<1000x256xf32> to vector<256xf32>
    %broadcast_in_dim3A_18 = vector.shape_cast %reduce_max3A_17 : vector<256xf32> to vector<1x256xf32>
    %swap3A_19 = arith.constant 0 : index
    %swap3A_20 = arith.constant 1 : index
    %swap3A_21 = arith.constant 0 : index
    %swap3A_22 = vector.load %arg3[%swap3A_19, %swap3A_20, %swap3A_21] : memref<1x8x256xf32, #tpu.memory_space<vmem>>, vector<1x1x256xf32>
    %swap3A_23 = vector.shape_cast %swap3A_22 : vector<1x1x256xf32> to vector<1x256xf32>
    %swap3A_24 = vector.shape_cast %broadcast_in_dim3A_18 : vector<1x256xf32> to vector<1x1x256xf32>
    tpu.vector_store %arg3[%swap3A_19, %swap3A_20, %swap3A_21], %swap3A_24 {strides = array<i32>} : memref<1x8x256xf32, #tpu.memory_space<vmem>>, vector<1x1x256xf32>,
    %ge3A_25 = vector.broadcast %broadcast_in_dim3A_18 : vector<1x256xf32> to vector<1000x256xf32>
    %ge3A_26 = arith.cmpf oge, %select_n3A, %ge3A_25 : vector<1000x256xf32>
    %jit3A_27 = arith.constant -3.000000e+38 : f32
    %broadcast_in_dim3A_28 = vector.broadcast %jit3A_27 : f32 to vector<1000x256xf32>
    %select_n3A_29 = arith.select %ge3A_26, %broadcast_in_dim3A_28, %select_n3A : vector<1000x256xi1>, vector<1000x256xf32>
    %reduce_max3A_30 = arith.constant dense<0xFF800000> : vector<256xf32>
    %reduce_max3A_31 = vector.multi_reduction <maximumf>, %select_n3A_29, %reduce_max3A_30 [0] : vector<1000x256xf32> to vector<256xf32>
    %broadcast_in_dim3A_32 = vector.shape_cast %reduce_max3A_31 : vector<256xf32> to vector<1x256xf32>
    %swap3A_33 = arith.constant 0 : index
    %swap3A_34 = arith.constant 2 : index
    %swap3A_35 = arith.constant 0 : index
    %swap3A_36 = vector.load %arg3[%swap3A_33, %swap3A_34, %swap3A_35] : memref<1x8x256xf32, #tpu.memory_space<vmem>>, vector<1x1x256xf32>
    %swap3A_37 = vector.shape_cast %swap3A_36 : vector<1x1x256xf32> to vector<1x256xf32>
    %swap3A_38 = vector.shape_cast %broadcast_in_dim3A_32 : vector<1x256xf32> to vector<1x1x256xf32>
    tpu.vector_store %arg3[%swap3A_33, %swap3A_34, %swap3A_35], %swap3A_38 {strides = array<i32>} : memref<1x8x256xf32, #tpu.memory_space<vmem>>, vector<1x1x256xf32>,
    %ge3A_39 = vector.broadcast %broadcast_in_dim3A_32 : vector<1x256xf32> to vector<1000x256xf32>
    %ge3A_40 = arith.cmpf oge, %select_n3A_29, %ge3A_39 : vector<1000x256xf32>
    %jit3A_41 = arith.constant -3.000000e+38 : f32
    %broadcast_in_dim3A_42 = vector.broadcast %jit3A_41 : f32 to vector<1000x256xf32>
    %select_n3A_43 = arith.select %ge3A_40, %broadcast_in_dim3A_42, %select_n3A_29 : vector<1000x256xi1>, vector<1000x256xf32>
    %reduce_max3A_44 = arith.constant dense<0xFF800000> : vector<256xf32>
    %reduce_max3A_45 = vector.multi_reduction <maximumf>, %select_n3A_43, %reduce_max3A_44 [0] : vector<1000x256xf32> to vector<256xf32>
    %broadcast_in_dim3A_46 = vector.shape_cast %reduce_max3A_45 : vector<256xf32> to vector<1x256xf32>
    %swap3A_47 = arith.constant 0 : index
    %swap3A_48 = arith.constant 3 : index
    %swap3A_49 = arith.constant 0 : index
    %swap3A_50 = vector.load %arg3[%swap3A_47, %swap3A_48, %swap3A_49] : memref<1x8x256xf32, #tpu.memory_space<vmem>>, vector<1x1x256xf32>
    %swap3A_51 = vector.shape_cast %swap3A_50 : vector<1x1x256xf32> to vector<1x256xf32>
    %swap3A_52 = vector.shape_cast %broadcast_in_dim3A_46 : vector<1x256xf32> to vector<1x1x256xf32>
    tpu.vector_store %arg3[%swap3A_47, %swap3A_48, %swap3A_49], %swap3A_52 {strides = array<i32>} : memref<1x8x256xf32, #tpu.memory_space<vmem>>, vector<1x1x256xf32>,
    %ge3A_53 = vector.broadcast %broadcast_in_dim3A_46 : vector<1x256xf32> to vector<1000x256xf32>
    %ge3A_54 = arith.cmpf oge, %select_n3A_43, %ge3A_53 : vector<1000x256xf32>
    %jit3A_55 = arith.constant -3.000000e+38 : f32
    %broadcast_in_dim3A_56 = vector.broadcast %jit3A_55 : f32 to vector<1000x256xf32>
    %select_n3A_57 = arith.select %ge3A_54, %broadcast_in_dim3A_56, %select_n3A_43 : vector<1000x256xi1>, vector<1000x256xf32>
    %reduce_max3A_58 = arith.constant dense<0xFF800000> : vector<256xf32>
    %reduce_max3A_59 = vector.multi_reduction <maximumf>, %select_n3A_57, %reduce_max3A_58 [0] : vector<1000x256xf32> to vector<256xf32>
    %broadcast_in_dim3A_60 = vector.shape_cast %reduce_max3A_59 : vector<256xf32> to vector<1x256xf32>
    %swap3A_61 = arith.constant 0 : index
    %swap3A_62 = arith.constant 4 : index
    %swap3A_63 = arith.constant 0 : index
    %swap3A_64 = vector.load %arg3[%swap3A_61, %swap3A_62, %swap3A_63] : memref<1x8x256xf32, #tpu.memory_space<vmem>>, vector<1x1x256xf32>
    %swap3A_65 = vector.shape_cast %swap3A_64 : vector<1x1x256xf32> to vector<1x256xf32>
    %swap3A_66 = vector.shape_cast %broadcast_in_dim3A_60 : vector<1x256xf32> to vector<1x1x256xf32>
    tpu.vector_store %arg3[%swap3A_61, %swap3A_62, %swap3A_63], %swap3A_66 {strides = array<i32>} : memref<1x8x256xf32, #tpu.memory_space<vmem>>, vector<1x1x256xf32>,
    %ge3A_67 = vector.broadcast %broadcast_in_dim3A_60 : vector<1x256xf32> to vector<1000x256xf32>
    %ge3A_68 = arith.cmpf oge, %select_n3A_57, %ge3A_67 : vector<1000x256xf32>
    %jit3A_69 = arith.constant -3.000000e+38 : f32
    %broadcast_in_dim3A_70 = vector.broadcast %jit3A_69 : f32 to vector<1000x256xf32>
    %select_n3A_71 = arith.select %ge3A_68, %broadcast_in_dim3A_70, %select_n3A_57 : vector<1000x256xi1>, vector<1000x256xf32>
    %reduce_max3A_72 = arith.constant dense<0xFF800000> : vector<256xf32>
    %reduce_max3A_73 = vector.multi_reduction <maximumf>, %select_n3A_71, %reduce_max3A_72 [0] : vector<1000x256xf32> to vector<256xf32>
    %broadcast_in_dim3A_74 = vector.shape_cast %reduce_max3A_73 : vector<256xf32> to vector<1x256xf32>
    %swap3A_75 = arith.constant 0 : index
    %swap3A_76 = arith.constant 5 : index
    %swap3A_77 = arith.constant 0 : index
    %swap3A_78 = vector.load %arg3[%swap3A_75, %swap3A_76, %swap3A_77] : memref<1x8x256xf32, #tpu.memory_space<vmem>>, vector<1x1x256xf32>
    %swap3A_79 = vector.shape_cast %swap3A_78 : vector<1x1x256xf32> to vector<1x256xf32>
    %swap3A_80 = vector.shape_cast %broadcast_in_dim3A_74 : vector<1x256xf32> to vector<1x1x256xf32>
    tpu.vector_store %arg3[%swap3A_75, %swap3A_76, %swap3A_77], %swap3A_80 {strides = array<i32>} : memref<1x8x256xf32, #tpu.memory_space<vmem>>, vector<1x1x256xf32>,
    %ge3A_81 = vector.broadcast %broadcast_in_dim3A_74 : vector<1x256xf32> to vector<1000x256xf32>
    %ge3A_82 = arith.cmpf oge, %select_n3A_71, %ge3A_81 : vector<1000x256xf32>
    %jit3A_83 = arith.constant -3.000000e+38 : f32
    %broadcast_in_dim3A_84 = vector.broadcast %jit3A_83 : f32 to vector<1000x256xf32>
    %select_n3A_85 = arith.select %ge3A_82, %broadcast_in_dim3A_84, %select_n3A_71 : vector<1000x256xi1>, vector<1000x256xf32>
    %reduce_max3A_86 = arith.constant dense<0xFF800000> : vector<256xf32>
    %reduce_max3A_87 = vector.multi_reduction <maximumf>, %select_n3A_85, %reduce_max3A_86 [0] : vector<1000x256xf32> to vector<256xf32>
    %broadcast_in_dim3A_88 = vector.shape_cast %reduce_max3A_87 : vector<256xf32> to vector<1x256xf32>
    %swap3A_89 = arith.constant 0 : index
    %swap3A_90 = arith.constant 6 : index
    %swap3A_91 = arith.constant 0 : index
    %swap3A_92 = vector.load %arg3[%swap3A_89, %swap3A_90, %swap3A_91] : memref<1x8x256xf32, #tpu.memory_space<vmem>>, vector<1x1x256xf32>
    %swap3A_93 = vector.shape_cast %swap3A_92 : vector<1x1x256xf32> to vector<1x256xf32>
    %swap3A_94 = vector.shape_cast %broadcast_in_dim3A_88 : vector<1x256xf32> to vector<1x1x256xf32>
    tpu.vector_store %arg3[%swap3A_89, %swap3A_90, %swap3A_91], %swap3A_94 {strides = array<i32>} : memref<1x8x256xf32, #tpu.memory_space<vmem>>, vector<1x1x256xf32>,
    %ge3A_95 = vector.broadcast %broadcast_in_dim3A_88 : vector<1x256xf32> to vector<1000x256xf32>
    %ge3A_96 = arith.cmpf oge, %select_n3A_85, %ge3A_95 : vector<1000x256xf32>
    %jit3A_97 = arith.constant -3.000000e+38 : f32
    %broadcast_in_dim3A_98 = vector.broadcast %jit3A_97 : f32 to vector<1000x256xf32>
    %select_n3A_99 = arith.select %ge3A_96, %broadcast_in_dim3A_98, %select_n3A_85 : vector<1000x256xi1>, vector<1000x256xf32>
    %reduce_max3A_100 = arith.constant dense<0xFF800000> : vector<256xf32>
    %reduce_max3A_101 = vector.multi_reduction <maximumf>, %select_n3A_99, %reduce_max3A_100 [0] : vector<1000x256xf32> to vector<256xf32>
    %broadcast_in_dim3A_102 = vector.shape_cast %reduce_max3A_101 : vector<256xf32> to vector<1x256xf32>
    %swap3A_103 = arith.constant 0 : index
    %swap3A_104 = arith.constant 7 : index
    %swap3A_105 = arith.constant 0 : index
    %swap3A_106 = vector.load %arg3[%swap3A_103, %swap3A_104, %swap3A_105] : memref<1x8x256xf32, #tpu.memory_space<vmem>>, vector<1x1x256xf32>
    %swap3A_107 = vector.shape_cast %swap3A_106 : vector<1x1x256xf32> to vector<1x256xf32>
    %swap3A_108 = vector.shape_cast %broadcast_in_dim3A_102 : vector<1x256xf32> to vector<1x1x256xf32>
    tpu.vector_store %arg3[%swap3A_103, %swap3A_104, %swap3A_105], %swap3A_108 {strides = array<i32>} : memref<1x8x256xf32, #tpu.memory_space<vmem>>, vector<1x1x256xf32>,
    %eq3A = arith.constant 0 : i32
    %eq3A_109 = arith.cmpi eq, %arg0, %eq3A : i32
    %convert_element_type3A = arith.extui %eq3A_109 : i1 to i32
    %cond3A = arith.constant 0 : i32
    %cond3A_110 = arith.cmpi ne, %convert_element_type3A, %cond3A : i32
    scf.if %cond3A_110 {
      %reduce_sum3A = arith.constant dense<0.000000e+00> : vector<256xf32>
      %reduce_sum3A_111 = vector.multi_reduction <add>, %dot_general3A_5, %reduce_sum3A [0] : vector<2000x256xf32> to vector<256xf32>
      %broadcast_in_dim3A_112 = vector.shape_cast %reduce_sum3A_111 : vector<256xf32> to vector<1x256xf32>
      %div3A = arith.constant 2.000000e+03 : f32
      %div3A_113 = vector.broadcast %div3A : f32 to vector<1x256xf32>
      %div3A_114 = arith.divf %broadcast_in_dim3A_112, %div3A_113 : vector<1x256xf32>
      %mul3A = arith.mulf %dot_general3A_5, %dot_general3A_5 : vector<2000x256xf32>
      %reduce_sum3A_115 = arith.constant dense<0.000000e+00> : vector<256xf32>
      %reduce_sum3A_116 = vector.multi_reduction <add>, %mul3A, %reduce_sum3A_115 [0] : vector<2000x256xf32> to vector<256xf32>
      %broadcast_in_dim3A_117 = vector.shape_cast %reduce_sum3A_116 : vector<256xf32> to vector<1x256xf32>
      %div3A_118 = arith.constant 2.000000e+03 : f32
      %div3A_119 = vector.broadcast %div3A_118 : f32 to vector<1x256xf32>
      %div3A_120 = arith.divf %broadcast_in_dim3A_117, %div3A_119 : vector<1x256xf32>
      %mul3A_121 = arith.mulf %div3A_114, %div3A_114 : vector<1x256xf32>
      %sub3A = arith.subf %div3A_120, %mul3A_121 : vector<1x256xf32>
      %max3A = arith.constant 9.99999996E-13 : f32
      %max3A_122 = vector.broadcast %max3A : f32 to vector<1x256xf32>
      %max3A_123 = arith.maximumf %sub3A, %max3A_122 : vector<1x256xf32>
      %sqrt3A = math.sqrt %max3A_123 : vector<1x256xf32>
      %mul3A_124 = arith.constant 2.500000e+00 : f32
      %mul3A_125 = vector.broadcast %mul3A_124 : f32 to vector<1x256xf32>
      %mul3A_126 = arith.mulf %mul3A_125, %sqrt3A : vector<1x256xf32>
      %sub3A_127 = arith.subf %div3A_114, %mul3A_126 : vector<1x256xf32>
      %mul3A_128 = arith.constant 5.000000e-01 : f32
      %mul3A_129 = vector.broadcast %mul3A_128 : f32 to vector<1x256xf32>
      %mul3A_130 = arith.mulf %mul3A_129, %sqrt3A : vector<1x256xf32>
      %sub3A_131 = arith.subf %div3A_114, %mul3A_130 : vector<1x256xf32>
      %sub3A_132 = arith.subf %sub3A_131, %sub3A_127 : vector<1x256xf32>
      %div3A_133 = arith.constant 1.500000e+01 : f32
      %div3A_134 = vector.broadcast %div3A_133 : f32 to vector<1x256xf32>
      %div3A_135 = arith.divf %sub3A_132, %div3A_134 : vector<1x256xf32>
      %broadcast_in_dim3A_136 = arith.constant -3.000000e+38 : f32
      %broadcast_in_dim3A_137 = vector.broadcast %broadcast_in_dim3A_136 : f32 to vector<1x256xf32>
      %broadcast_in_dim3A_138 = arith.constant 3.000000e+38 : f32
      %broadcast_in_dim3A_139 = vector.broadcast %broadcast_in_dim3A_138 : f32 to vector<1x256xf32>
      %mul3A_140 = arith.constant 0.000000e+00 : f32
      %mul3A_141 = vector.broadcast %mul3A_140 : f32 to vector<1x256xf32>
      %mul3A_142 = arith.mulf %div3A_135, %mul3A_141 : vector<1x256xf32>
      %add3A = arith.addf %sub3A_127, %mul3A_142 : vector<1x256xf32>
      %lt3A = vector.broadcast %add3A : vector<1x256xf32> to vector<2000x256xf32>
      %lt3A_143 = arith.cmpf olt, %dot_general3A_5, %lt3A : vector<2000x256xf32>
      %jit3A_144 = arith.constant 1.000000e+00 : f32
      %jit3A_145 = arith.constant 0.000000e+00 : f32
      %broadcast_in_dim3A_146 = vector.broadcast %jit3A_144 : f32 to vector<2000x256xf32>
      %broadcast_in_dim3A_147 = vector.broadcast %jit3A_145 : f32 to vector<2000x256xf32>
      %select_n3A_148 = arith.select %lt3A_143, %broadcast_in_dim3A_146, %broadcast_in_dim3A_147 : vector<2000x256xi1>, vector<2000x256xf32>
      %reduce_sum3A_149 = arith.constant dense<0.000000e+00> : vector<256xf32>
      %reduce_sum3A_150 = vector.multi_reduction <add>, %select_n3A_148, %reduce_sum3A_149 [0] : vector<2000x256xf32> to vector<256xf32>
      %broadcast_in_dim3A_151 = vector.shape_cast %reduce_sum3A_150 : vector<256xf32> to vector<1x256xf32>
      %ge3A_152 = arith.constant 2.000000e+02 : f32
      %ge3A_153 = vector.broadcast %ge3A_152 : f32 to vector<1x256xf32>
      %ge3A_154 = arith.cmpf oge, %broadcast_in_dim3A_151, %ge3A_153 : vector<1x256xf32>
      %min3A = arith.minimumf %broadcast_in_dim3A_139, %add3A : vector<1x256xf32>
      %select_n3A_155 = arith.select %ge3A_154, %min3A, %broadcast_in_dim3A_139 : vector<1x256xi1>, vector<1x256xf32>
      %max3A_156 = arith.maximumf %broadcast_in_dim3A_137, %add3A : vector<1x256xf32>
      %select_n3A_157 = arith.select %ge3A_154, %broadcast_in_dim3A_137, %max3A_156 : vector<1x256xi1>, vector<1x256xf32>
      %mul3A_158 = arith.constant 1.000000e+00 : f32
      %mul3A_159 = vector.broadcast %mul3A_158 : f32 to vector<1x256xf32>
      %mul3A_160 = arith.mulf %div3A_135, %mul3A_159 : vector<1x256xf32>
      %add3A_161 = arith.addf %sub3A_127, %mul3A_160 : vector<1x256xf32>
      %lt3A_162 = vector.broadcast %add3A_161 : vector<1x256xf32> to vector<2000x256xf32>
      %lt3A_163 = arith.cmpf olt, %dot_general3A_5, %lt3A_162 : vector<2000x256xf32>
      %jit3A_164 = arith.constant 1.000000e+00 : f32
      %jit3A_165 = arith.constant 0.000000e+00 : f32
      %broadcast_in_dim3A_166 = vector.broadcast %jit3A_164 : f32 to vector<2000x256xf32>
      %broadcast_in_dim3A_167 = vector.broadcast %jit3A_165 : f32 to vector<2000x256xf32>
      %select_n3A_168 = arith.select %lt3A_163, %broadcast_in_dim3A_166, %broadcast_in_dim3A_167 : vector<2000x256xi1>, vector<2000x256xf32>
      %reduce_sum3A_169 = arith.constant dense<0.000000e+00> : vector<256xf32>
      %reduce_sum3A_170 = vector.multi_reduction <add>, %select_n3A_168, %reduce_sum3A_169 [0] : vector<2000x256xf32> to vector<256xf32>
      %broadcast_in_dim3A_171 = vector.shape_cast %reduce_sum3A_170 : vector<256xf32> to vector<1x256xf32>
      %ge3A_172 = arith.constant 2.000000e+02 : f32
      %ge3A_173 = vector.broadcast %ge3A_172 : f32 to vector<1x256xf32>
      %ge3A_174 = arith.cmpf oge, %broadcast_in_dim3A_171, %ge3A_173 : vector<1x256xf32>
      %min3A_175 = arith.minimumf %select_n3A_155, %add3A_161 : vector<1x256xf32>
      %select_n3A_176 = arith.select %ge3A_174, %min3A_175, %select_n3A_155 : vector<1x256xi1>, vector<1x256xf32>
      %max3A_177 = arith.maximumf %select_n3A_157, %add3A_161 : vector<1x256xf32>
      %select_n3A_178 = arith.select %ge3A_174, %select_n3A_157, %max3A_177 : vector<1x256xi1>, vector<1x256xf32>
      %mul3A_179 = arith.constant 2.000000e+00 : f32
      %mul3A_180 = vector.broadcast %mul3A_179 : f32 to vector<1x256xf32>
      %mul3A_181 = arith.mulf %div3A_135, %mul3A_180 : vector<1x256xf32>
      %add3A_182 = arith.addf %sub3A_127, %mul3A_181 : vector<1x256xf32>
      %lt3A_183 = vector.broadcast %add3A_182 : vector<1x256xf32> to vector<2000x256xf32>
      %lt3A_184 = arith.cmpf olt, %dot_general3A_5, %lt3A_183 : vector<2000x256xf32>
      %jit3A_185 = arith.constant 1.000000e+00 : f32
      %jit3A_186 = arith.constant 0.000000e+00 : f32
      %broadcast_in_dim3A_187 = vector.broadcast %jit3A_185 : f32 to vector<2000x256xf32>
      %broadcast_in_dim3A_188 = vector.broadcast %jit3A_186 : f32 to vector<2000x256xf32>
      %select_n3A_189 = arith.select %lt3A_184, %broadcast_in_dim3A_187, %broadcast_in_dim3A_188 : vector<2000x256xi1>, vector<2000x256xf32>
      %reduce_sum3A_190 = arith.constant dense<0.000000e+00> : vector<256xf32>
      %reduce_sum3A_191 = vector.multi_reduction <add>, %select_n3A_189, %reduce_sum3A_190 [0] : vector<2000x256xf32> to vector<256xf32>
      %broadcast_in_dim3A_192 = vector.shape_cast %reduce_sum3A_191 : vector<256xf32> to vector<1x256xf32>
      %ge3A_193 = arith.constant 2.000000e+02 : f32
      %ge3A_194 = vector.broadcast %ge3A_193 : f32 to vector<1x256xf32>
      %ge3A_195 = arith.cmpf oge, %broadcast_in_dim3A_192, %ge3A_194 : vector<1x256xf32>
      %min3A_196 = arith.minimumf %select_n3A_176, %add3A_182 : vector<1x256xf32>
      %select_n3A_197 = arith.select %ge3A_195, %min3A_196, %select_n3A_176 : vector<1x256xi1>, vector<1x256xf32>
      %max3A_198 = arith.maximumf %select_n3A_178, %add3A_182 : vector<1x256xf32>
      %select_n3A_199 = arith.select %ge3A_195, %select_n3A_178, %max3A_198 : vector<1x256xi1>, vector<1x256xf32>
      %mul3A_200 = arith.constant 3.000000e+00 : f32
      %mul3A_201 = vector.broadcast %mul3A_200 : f32 to vector<1x256xf32>
      %mul3A_202 = arith.mulf %div3A_135, %mul3A_201 : vector<1x256xf32>
      %add3A_203 = arith.addf %sub3A_127, %mul3A_202 : vector<1x256xf32>
      %lt3A_204 = vector.broadcast %add3A_203 : vector<1x256xf32> to vector<2000x256xf32>
      %lt3A_205 = arith.cmpf olt, %dot_general3A_5, %lt3A_204 : vector<2000x256xf32>
      %jit3A_206 = arith.constant 1.000000e+00 : f32
      %jit3A_207 = arith.constant 0.000000e+00 : f32
      %broadcast_in_dim3A_208 = vector.broadcast %jit3A_206 : f32 to vector<2000x256xf32>
      %broadcast_in_dim3A_209 = vector.broadcast %jit3A_207 : f32 to vector<2000x256xf32>
      %select_n3A_210 = arith.select %lt3A_205, %broadcast_in_dim3A_208, %broadcast_in_dim3A_209 : vector<2000x256xi1>, vector<2000x256xf32>
      %reduce_sum3A_211 = arith.constant dense<0.000000e+00> : vector<256xf32>
      %reduce_sum3A_212 = vector.multi_reduction <add>, %select_n3A_210, %reduce_sum3A_211 [0] : vector<2000x256xf32> to vector<256xf32>
      %broadcast_in_dim3A_213 = vector.shape_cast %reduce_sum3A_212 : vector<256xf32> to vector<1x256xf32>
      %ge3A_214 = arith.constant 2.000000e+02 : f32
      %ge3A_215 = vector.broadcast %ge3A_214 : f32 to vector<1x256xf32>
      %ge3A_216 = arith.cmpf oge, %broadcast_in_dim3A_213, %ge3A_215 : vector<1x256xf32>
      %min3A_217 = arith.minimumf %select_n3A_197, %add3A_203 : vector<1x256xf32>
      %select_n3A_218 = arith.select %ge3A_216, %min3A_217, %select_n3A_197 : vector<1x256xi1>, vector<1x256xf32>
      %max3A_219 = arith.maximumf %select_n3A_199, %add3A_203 : vector<1x256xf32>
      %select_n3A_220 = arith.select %ge3A_216, %select_n3A_199, %max3A_219 : vector<1x256xi1>, vector<1x256xf32>
      %mul3A_221 = arith.constant 4.000000e+00 : f32
      %mul3A_222 = vector.broadcast %mul3A_221 : f32 to vector<1x256xf32>
      %mul3A_223 = arith.mulf %div3A_135, %mul3A_222 : vector<1x256xf32>
      %add3A_224 = arith.addf %sub3A_127, %mul3A_223 : vector<1x256xf32>
      %lt3A_225 = vector.broadcast %add3A_224 : vector<1x256xf32> to vector<2000x256xf32>
      %lt3A_226 = arith.cmpf olt, %dot_general3A_5, %lt3A_225 : vector<2000x256xf32>
      %jit3A_227 = arith.constant 1.000000e+00 : f32
      %jit3A_228 = arith.constant 0.000000e+00 : f32
      %broadcast_in_dim3A_229 = vector.broadcast %jit3A_227 : f32 to vector<2000x256xf32>
      %broadcast_in_dim3A_230 = vector.broadcast %jit3A_228 : f32 to vector<2000x256xf32>
      %select_n3A_231 = arith.select %lt3A_226, %broadcast_in_dim3A_229, %broadcast_in_dim3A_230 : vector<2000x256xi1>, vector<2000x256xf32>
      %reduce_sum3A_232 = arith.constant dense<0.000000e+00> : vector<256xf32>
      %reduce_sum3A_233 = vector.multi_reduction <add>, %select_n3A_231, %reduce_sum3A_232 [0] : vector<2000x256xf32> to vector<256xf32>
      %broadcast_in_dim3A_234 = vector.shape_cast %reduce_sum3A_233 : vector<256xf32> to vector<1x256xf32>
      %ge3A_235 = arith.constant 2.000000e+02 : f32
      %ge3A_236 = vector.broadcast %ge3A_235 : f32 to vector<1x256xf32>
      %ge3A_237 = arith.cmpf oge, %broadcast_in_dim3A_234, %ge3A_236 : vector<1x256xf32>
      %min3A_238 = arith.minimumf %select_n3A_218, %add3A_224 : vector<1x256xf32>
      %select_n3A_239 = arith.select %ge3A_237, %min3A_238, %select_n3A_218 : vector<1x256xi1>, vector<1x256xf32>
      %max3A_240 = arith.maximumf %select_n3A_220, %add3A_224 : vector<1x256xf32>
      %select_n3A_241 = arith.select %ge3A_237, %select_n3A_220, %max3A_240 : vector<1x256xi1>, vector<1x256xf32>
      %mul3A_242 = arith.constant 5.000000e+00 : f32
      %mul3A_243 = vector.broadcast %mul3A_242 : f32 to vector<1x256xf32>
      %mul3A_244 = arith.mulf %div3A_135, %mul3A_243 : vector<1x256xf32>
      %add3A_245 = arith.addf %sub3A_127, %mul3A_244 : vector<1x256xf32>
      %lt3A_246 = vector.broadcast %add3A_245 : vector<1x256xf32> to vector<2000x256xf32>
      %lt3A_247 = arith.cmpf olt, %dot_general3A_5, %lt3A_246 : vector<2000x256xf32>
      %jit3A_248 = arith.constant 1.000000e+00 : f32
      %jit3A_249 = arith.constant 0.000000e+00 : f32
      %broadcast_in_dim3A_250 = vector.broadcast %jit3A_248 : f32 to vector<2000x256xf32>
      %broadcast_in_dim3A_251 = vector.broadcast %jit3A_249 : f32 to vector<2000x256xf32>
      %select_n3A_252 = arith.select %lt3A_247, %broadcast_in_dim3A_250, %broadcast_in_dim3A_251 : vector<2000x256xi1>, vector<2000x256xf32>
      %reduce_sum3A_253 = arith.constant dense<0.000000e+00> : vector<256xf32>
      %reduce_sum3A_254 = vector.multi_reduction <add>, %select_n3A_252, %reduce_sum3A_253 [0] : vector<2000x256xf32> to vector<256xf32>
      %broadcast_in_dim3A_255 = vector.shape_cast %reduce_sum3A_254 : vector<256xf32> to vector<1x256xf32>
      %ge3A_256 = arith.constant 2.000000e+02 : f32
      %ge3A_257 = vector.broadcast %ge3A_256 : f32 to vector<1x256xf32>
      %ge3A_258 = arith.cmpf oge, %broadcast_in_dim3A_255, %ge3A_257 : vector<1x256xf32>
      %min3A_259 = arith.minimumf %select_n3A_239, %add3A_245 : vector<1x256xf32>
      %select_n3A_260 = arith.select %ge3A_258, %min3A_259, %select_n3A_239 : vector<1x256xi1>, vector<1x256xf32>
      %max3A_261 = arith.maximumf %select_n3A_241, %add3A_245 : vector<1x256xf32>
      %select_n3A_262 = arith.select %ge3A_258, %select_n3A_241, %max3A_261 : vector<1x256xi1>, vector<1x256xf32>
      %mul3A_263 = arith.constant 6.000000e+00 : f32
      %mul3A_264 = vector.broadcast %mul3A_263 : f32 to vector<1x256xf32>
      %mul3A_265 = arith.mulf %div3A_135, %mul3A_264 : vector<1x256xf32>
      %add3A_266 = arith.addf %sub3A_127, %mul3A_265 : vector<1x256xf32>
      %lt3A_267 = vector.broadcast %add3A_266 : vector<1x256xf32> to vector<2000x256xf32>
      %lt3A_268 = arith.cmpf olt, %dot_general3A_5, %lt3A_267 : vector<2000x256xf32>
      %jit3A_269 = arith.constant 1.000000e+00 : f32
      %jit3A_270 = arith.constant 0.000000e+00 : f32
      %broadcast_in_dim3A_271 = vector.broadcast %jit3A_269 : f32 to vector<2000x256xf32>
      %broadcast_in_dim3A_272 = vector.broadcast %jit3A_270 : f32 to vector<2000x256xf32>
      %select_n3A_273 = arith.select %lt3A_268, %broadcast_in_dim3A_271, %broadcast_in_dim3A_272 : vector<2000x256xi1>, vector<2000x256xf32>
      %reduce_sum3A_274 = arith.constant dense<0.000000e+00> : vector<256xf32>
      %reduce_sum3A_275 = vector.multi_reduction <add>, %select_n3A_273, %reduce_sum3A_274 [0] : vector<2000x256xf32> to vector<256xf32>
      %broadcast_in_dim3A_276 = vector.shape_cast %reduce_sum3A_275 : vector<256xf32> to vector<1x256xf32>
      %ge3A_277 = arith.constant 2.000000e+02 : f32
      %ge3A_278 = vector.broadcast %ge3A_277 : f32 to vector<1x256xf32>
      %ge3A_279 = arith.cmpf oge, %broadcast_in_dim3A_276, %ge3A_278 : vector<1x256xf32>
      %min3A_280 = arith.minimumf %select_n3A_260, %add3A_266 : vector<1x256xf32>
      %select_n3A_281 = arith.select %ge3A_279, %min3A_280, %select_n3A_260 : vector<1x256xi1>, vector<1x256xf32>
      %max3A_282 = arith.maximumf %select_n3A_262, %add3A_266 : vector<1x256xf32>
      %select_n3A_283 = arith.select %ge3A_279, %select_n3A_262, %max3A_282 : vector<1x256xi1>, vector<1x256xf32>
      %mul3A_284 = arith.constant 7.000000e+00 : f32
      %mul3A_285 = vector.broadcast %mul3A_284 : f32 to vector<1x256xf32>
      %mul3A_286 = arith.mulf %div3A_135, %mul3A_285 : vector<1x256xf32>
      %add3A_287 = arith.addf %sub3A_127, %mul3A_286 : vector<1x256xf32>
      %lt3A_288 = vector.broadcast %add3A_287 : vector<1x256xf32> to vector<2000x256xf32>
      %lt3A_289 = arith.cmpf olt, %dot_general3A_5, %lt3A_288 : vector<2000x256xf32>
      %jit3A_290 = arith.constant 1.000000e+00 : f32
      %jit3A_291 = arith.constant 0.000000e+00 : f32
      %broadcast_in_dim3A_292 = vector.broadcast %jit3A_290 : f32 to vector<2000x256xf32>
      %broadcast_in_dim3A_293 = vector.broadcast %jit3A_291 : f32 to vector<2000x256xf32>
      %select_n3A_294 = arith.select %lt3A_289, %broadcast_in_dim3A_292, %broadcast_in_dim3A_293 : vector<2000x256xi1>, vector<2000x256xf32>
      %reduce_sum3A_295 = arith.constant dense<0.000000e+00> : vector<256xf32>
      %reduce_sum3A_296 = vector.multi_reduction <add>, %select_n3A_294, %reduce_sum3A_295 [0] : vector<2000x256xf32> to vector<256xf32>
      %broadcast_in_dim3A_297 = vector.shape_cast %reduce_sum3A_296 : vector<256xf32> to vector<1x256xf32>
      %ge3A_298 = arith.constant 2.000000e+02 : f32
      %ge3A_299 = vector.broadcast %ge3A_298 : f32 to vector<1x256xf32>
      %ge3A_300 = arith.cmpf oge, %broadcast_in_dim3A_297, %ge3A_299 : vector<1x256xf32>
      %min3A_301 = arith.minimumf %select_n3A_281, %add3A_287 : vector<1x256xf32>
      %select_n3A_302 = arith.select %ge3A_300, %min3A_301, %select_n3A_281 : vector<1x256xi1>, vector<1x256xf32>
      %max3A_303 = arith.maximumf %select_n3A_283, %add3A_287 : vector<1x256xf32>
      %select_n3A_304 = arith.select %ge3A_300, %select_n3A_283, %max3A_303 : vector<1x256xi1>, vector<1x256xf32>
      %mul3A_305 = arith.constant 8.000000e+00 : f32
      %mul3A_306 = vector.broadcast %mul3A_305 : f32 to vector<1x256xf32>
      %mul3A_307 = arith.mulf %div3A_135, %mul3A_306 : vector<1x256xf32>
      %add3A_308 = arith.addf %sub3A_127, %mul3A_307 : vector<1x256xf32>
      %lt3A_309 = vector.broadcast %add3A_308 : vector<1x256xf32> to vector<2000x256xf32>
      %lt3A_310 = arith.cmpf olt, %dot_general3A_5, %lt3A_309 : vector<2000x256xf32>
      %jit3A_311 = arith.constant 1.000000e+00 : f32
      %jit3A_312 = arith.constant 0.000000e+00 : f32
      %broadcast_in_dim3A_313 = vector.broadcast %jit3A_311 : f32 to vector<2000x256xf32>
      %broadcast_in_dim3A_314 = vector.broadcast %jit3A_312 : f32 to vector<2000x256xf32>
      %select_n3A_315 = arith.select %lt3A_310, %broadcast_in_dim3A_313, %broadcast_in_dim3A_314 : vector<2000x256xi1>, vector<2000x256xf32>
      %reduce_sum3A_316 = arith.constant dense<0.000000e+00> : vector<256xf32>
      %reduce_sum3A_317 = vector.multi_reduction <add>, %select_n3A_315, %reduce_sum3A_316 [0] : vector<2000x256xf32> to vector<256xf32>
      %broadcast_in_dim3A_318 = vector.shape_cast %reduce_sum3A_317 : vector<256xf32> to vector<1x256xf32>
      %ge3A_319 = arith.constant 2.000000e+02 : f32
      %ge3A_320 = vector.broadcast %ge3A_319 : f32 to vector<1x256xf32>
      %ge3A_321 = arith.cmpf oge, %broadcast_in_dim3A_318, %ge3A_320 : vector<1x256xf32>
      %min3A_322 = arith.minimumf %select_n3A_302, %add3A_308 : vector<1x256xf32>
      %select_n3A_323 = arith.select %ge3A_321, %min3A_322, %select_n3A_302 : vector<1x256xi1>, vector<1x256xf32>
      %max3A_324 = arith.maximumf %select_n3A_304, %add3A_308 : vector<1x256xf32>
      %select_n3A_325 = arith.select %ge3A_321, %select_n3A_304, %max3A_324 : vector<1x256xi1>, vector<1x256xf32>
      %mul3A_326 = arith.constant 9.000000e+00 : f32
      %mul3A_327 = vector.broadcast %mul3A_326 : f32 to vector<1x256xf32>
      %mul3A_328 = arith.mulf %div3A_135, %mul3A_327 : vector<1x256xf32>
      %add3A_329 = arith.addf %sub3A_127, %mul3A_328 : vector<1x256xf32>
      %lt3A_330 = vector.broadcast %add3A_329 : vector<1x256xf32> to vector<2000x256xf32>
      %lt3A_331 = arith.cmpf olt, %dot_general3A_5, %lt3A_330 : vector<2000x256xf32>
      %jit3A_332 = arith.constant 1.000000e+00 : f32
      %jit3A_333 = arith.constant 0.000000e+00 : f32
      %broadcast_in_dim3A_334 = vector.broadcast %jit3A_332 : f32 to vector<2000x256xf32>
      %broadcast_in_dim3A_335 = vector.broadcast %jit3A_333 : f32 to vector<2000x256xf32>
      %select_n3A_336 = arith.select %lt3A_331, %broadcast_in_dim3A_334, %broadcast_in_dim3A_335 : vector<2000x256xi1>, vector<2000x256xf32>
      %reduce_sum3A_337 = arith.constant dense<0.000000e+00> : vector<256xf32>
      %reduce_sum3A_338 = vector.multi_reduction <add>, %select_n3A_336, %reduce_sum3A_337 [0] : vector<2000x256xf32> to vector<256xf32>
      %broadcast_in_dim3A_339 = vector.shape_cast %reduce_sum3A_338 : vector<256xf32> to vector<1x256xf32>
      %ge3A_340 = arith.constant 2.000000e+02 : f32
      %ge3A_341 = vector.broadcast %ge3A_340 : f32 to vector<1x256xf32>
      %ge3A_342 = arith.cmpf oge, %broadcast_in_dim3A_339, %ge3A_341 : vector<1x256xf32>
      %min3A_343 = arith.minimumf %select_n3A_323, %add3A_329 : vector<1x256xf32>
      %select_n3A_344 = arith.select %ge3A_342, %min3A_343, %select_n3A_323 : vector<1x256xi1>, vector<1x256xf32>
      %max3A_345 = arith.maximumf %select_n3A_325, %add3A_329 : vector<1x256xf32>
      %select_n3A_346 = arith.select %ge3A_342, %select_n3A_325, %max3A_345 : vector<1x256xi1>, vector<1x256xf32>
      %mul3A_347 = arith.constant 1.000000e+01 : f32
      %mul3A_348 = vector.broadcast %mul3A_347 : f32 to vector<1x256xf32>
      %mul3A_349 = arith.mulf %div3A_135, %mul3A_348 : vector<1x256xf32>
      %add3A_350 = arith.addf %sub3A_127, %mul3A_349 : vector<1x256xf32>
      %lt3A_351 = vector.broadcast %add3A_350 : vector<1x256xf32> to vector<2000x256xf32>
      %lt3A_352 = arith.cmpf olt, %dot_general3A_5, %lt3A_351 : vector<2000x256xf32>
      %jit3A_353 = arith.constant 1.000000e+00 : f32
      %jit3A_354 = arith.constant 0.000000e+00 : f32
      %broadcast_in_dim3A_355 = vector.broadcast %jit3A_353 : f32 to vector<2000x256xf32>
      %broadcast_in_dim3A_356 = vector.broadcast %jit3A_354 : f32 to vector<2000x256xf32>
      %select_n3A_357 = arith.select %lt3A_352, %broadcast_in_dim3A_355, %broadcast_in_dim3A_356 : vector<2000x256xi1>, vector<2000x256xf32>
      %reduce_sum3A_358 = arith.constant dense<0.000000e+00> : vector<256xf32>
      %reduce_sum3A_359 = vector.multi_reduction <add>, %select_n3A_357, %reduce_sum3A_358 [0] : vector<2000x256xf32> to vector<256xf32>
      %broadcast_in_dim3A_360 = vector.shape_cast %reduce_sum3A_359 : vector<256xf32> to vector<1x256xf32>
      %ge3A_361 = arith.constant 2.000000e+02 : f32
      %ge3A_362 = vector.broadcast %ge3A_361 : f32 to vector<1x256xf32>
      %ge3A_363 = arith.cmpf oge, %broadcast_in_dim3A_360, %ge3A_362 : vector<1x256xf32>
      %min3A_364 = arith.minimumf %select_n3A_344, %add3A_350 : vector<1x256xf32>
      %select_n3A_365 = arith.select %ge3A_363, %min3A_364, %select_n3A_344 : vector<1x256xi1>, vector<1x256xf32>
      %max3A_366 = arith.maximumf %select_n3A_346, %add3A_350 : vector<1x256xf32>
      %select_n3A_367 = arith.select %ge3A_363, %select_n3A_346, %max3A_366 : vector<1x256xi1>, vector<1x256xf32>
      %mul3A_368 = arith.constant 1.100000e+01 : f32
      %mul3A_369 = vector.broadcast %mul3A_368 : f32 to vector<1x256xf32>
      %mul3A_370 = arith.mulf %div3A_135, %mul3A_369 : vector<1x256xf32>
      %add3A_371 = arith.addf %sub3A_127, %mul3A_370 : vector<1x256xf32>
      %lt3A_372 = vector.broadcast %add3A_371 : vector<1x256xf32> to vector<2000x256xf32>
      %lt3A_373 = arith.cmpf olt, %dot_general3A_5, %lt3A_372 : vector<2000x256xf32>
      %jit3A_374 = arith.constant 1.000000e+00 : f32
      %jit3A_375 = arith.constant 0.000000e+00 : f32
      %broadcast_in_dim3A_376 = vector.broadcast %jit3A_374 : f32 to vector<2000x256xf32>
      %broadcast_in_dim3A_377 = vector.broadcast %jit3A_375 : f32 to vector<2000x256xf32>
      %select_n3A_378 = arith.select %lt3A_373, %broadcast_in_dim3A_376, %broadcast_in_dim3A_377 : vector<2000x256xi1>, vector<2000x256xf32>
      %reduce_sum3A_379 = arith.constant dense<0.000000e+00> : vector<256xf32>
      %reduce_sum3A_380 = vector.multi_reduction <add>, %select_n3A_378, %reduce_sum3A_379 [0] : vector<2000x256xf32> to vector<256xf32>
      %broadcast_in_dim3A_381 = vector.shape_cast %reduce_sum3A_380 : vector<256xf32> to vector<1x256xf32>
      %ge3A_382 = arith.constant 2.000000e+02 : f32
      %ge3A_383 = vector.broadcast %ge3A_382 : f32 to vector<1x256xf32>
      %ge3A_384 = arith.cmpf oge, %broadcast_in_dim3A_381, %ge3A_383 : vector<1x256xf32>
      %min3A_385 = arith.minimumf %select_n3A_365, %add3A_371 : vector<1x256xf32>
      %select_n3A_386 = arith.select %ge3A_384, %min3A_385, %select_n3A_365 : vector<1x256xi1>, vector<1x256xf32>
      %max3A_387 = arith.maximumf %select_n3A_367, %add3A_371 : vector<1x256xf32>
      %select_n3A_388 = arith.select %ge3A_384, %select_n3A_367, %max3A_387 : vector<1x256xi1>, vector<1x256xf32>
      %mul3A_389 = arith.constant 1.200000e+01 : f32
      %mul3A_390 = vector.broadcast %mul3A_389 : f32 to vector<1x256xf32>
      %mul3A_391 = arith.mulf %div3A_135, %mul3A_390 : vector<1x256xf32>
      %add3A_392 = arith.addf %sub3A_127, %mul3A_391 : vector<1x256xf32>
      %lt3A_393 = vector.broadcast %add3A_392 : vector<1x256xf32> to vector<2000x256xf32>
      %lt3A_394 = arith.cmpf olt, %dot_general3A_5, %lt3A_393 : vector<2000x256xf32>
      %jit3A_395 = arith.constant 1.000000e+00 : f32
      %jit3A_396 = arith.constant 0.000000e+00 : f32
      %broadcast_in_dim3A_397 = vector.broadcast %jit3A_395 : f32 to vector<2000x256xf32>
      %broadcast_in_dim3A_398 = vector.broadcast %jit3A_396 : f32 to vector<2000x256xf32>
      %select_n3A_399 = arith.select %lt3A_394, %broadcast_in_dim3A_397, %broadcast_in_dim3A_398 : vector<2000x256xi1>, vector<2000x256xf32>
      %reduce_sum3A_400 = arith.constant dense<0.000000e+00> : vector<256xf32>
      %reduce_sum3A_401 = vector.multi_reduction <add>, %select_n3A_399, %reduce_sum3A_400 [0] : vector<2000x256xf32> to vector<256xf32>
      %broadcast_in_dim3A_402 = vector.shape_cast %reduce_sum3A_401 : vector<256xf32> to vector<1x256xf32>
      %ge3A_403 = arith.constant 2.000000e+02 : f32
      %ge3A_404 = vector.broadcast %ge3A_403 : f32 to vector<1x256xf32>
      %ge3A_405 = arith.cmpf oge, %broadcast_in_dim3A_402, %ge3A_404 : vector<1x256xf32>
      %min3A_406 = arith.minimumf %select_n3A_386, %add3A_392 : vector<1x256xf32>
      %select_n3A_407 = arith.select %ge3A_405, %min3A_406, %select_n3A_386 : vector<1x256xi1>, vector<1x256xf32>
      %max3A_408 = arith.maximumf %select_n3A_388, %add3A_392 : vector<1x256xf32>
      %select_n3A_409 = arith.select %ge3A_405, %select_n3A_388, %max3A_408 : vector<1x256xi1>, vector<1x256xf32>
      %mul3A_410 = arith.constant 1.300000e+01 : f32
      %mul3A_411 = vector.broadcast %mul3A_410 : f32 to vector<1x256xf32>
      %mul3A_412 = arith.mulf %div3A_135, %mul3A_411 : vector<1x256xf32>
      %add3A_413 = arith.addf %sub3A_127, %mul3A_412 : vector<1x256xf32>
      %lt3A_414 = vector.broadcast %add3A_413 : vector<1x256xf32> to vector<2000x256xf32>
      %lt3A_415 = arith.cmpf olt, %dot_general3A_5, %lt3A_414 : vector<2000x256xf32>
      %jit3A_416 = arith.constant 1.000000e+00 : f32
      %jit3A_417 = arith.constant 0.000000e+00 : f32
      %broadcast_in_dim3A_418 = vector.broadcast %jit3A_416 : f32 to vector<2000x256xf32>
      %broadcast_in_dim3A_419 = vector.broadcast %jit3A_417 : f32 to vector<2000x256xf32>
      %select_n3A_420 = arith.select %lt3A_415, %broadcast_in_dim3A_418, %broadcast_in_dim3A_419 : vector<2000x256xi1>, vector<2000x256xf32>
      %reduce_sum3A_421 = arith.constant dense<0.000000e+00> : vector<256xf32>
      %reduce_sum3A_422 = vector.multi_reduction <add>, %select_n3A_420, %reduce_sum3A_421 [0] : vector<2000x256xf32> to vector<256xf32>
      %broadcast_in_dim3A_423 = vector.shape_cast %reduce_sum3A_422 : vector<256xf32> to vector<1x256xf32>
      %ge3A_424 = arith.constant 2.000000e+02 : f32
      %ge3A_425 = vector.broadcast %ge3A_424 : f32 to vector<1x256xf32>
      %ge3A_426 = arith.cmpf oge, %broadcast_in_dim3A_423, %ge3A_425 : vector<1x256xf32>
      %min3A_427 = arith.minimumf %select_n3A_407, %add3A_413 : vector<1x256xf32>
      %select_n3A_428 = arith.select %ge3A_426, %min3A_427, %select_n3A_407 : vector<1x256xi1>, vector<1x256xf32>
      %max3A_429 = arith.maximumf %select_n3A_409, %add3A_413 : vector<1x256xf32>
      %select_n3A_430 = arith.select %ge3A_426, %select_n3A_409, %max3A_429 : vector<1x256xi1>, vector<1x256xf32>
      %mul3A_431 = arith.constant 1.400000e+01 : f32
      %mul3A_432 = vector.broadcast %mul3A_431 : f32 to vector<1x256xf32>
      %mul3A_433 = arith.mulf %div3A_135, %mul3A_432 : vector<1x256xf32>
      %add3A_434 = arith.addf %sub3A_127, %mul3A_433 : vector<1x256xf32>
      %lt3A_435 = vector.broadcast %add3A_434 : vector<1x256xf32> to vector<2000x256xf32>
      %lt3A_436 = arith.cmpf olt, %dot_general3A_5, %lt3A_435 : vector<2000x256xf32>
      %jit3A_437 = arith.constant 1.000000e+00 : f32
      %jit3A_438 = arith.constant 0.000000e+00 : f32
      %broadcast_in_dim3A_439 = vector.broadcast %jit3A_437 : f32 to vector<2000x256xf32>
      %broadcast_in_dim3A_440 = vector.broadcast %jit3A_438 : f32 to vector<2000x256xf32>
      %select_n3A_441 = arith.select %lt3A_436, %broadcast_in_dim3A_439, %broadcast_in_dim3A_440 : vector<2000x256xi1>, vector<2000x256xf32>
      %reduce_sum3A_442 = arith.constant dense<0.000000e+00> : vector<256xf32>
      %reduce_sum3A_443 = vector.multi_reduction <add>, %select_n3A_441, %reduce_sum3A_442 [0] : vector<2000x256xf32> to vector<256xf32>
      %broadcast_in_dim3A_444 = vector.shape_cast %reduce_sum3A_443 : vector<256xf32> to vector<1x256xf32>
      %ge3A_445 = arith.constant 2.000000e+02 : f32
      %ge3A_446 = vector.broadcast %ge3A_445 : f32 to vector<1x256xf32>
      %ge3A_447 = arith.cmpf oge, %broadcast_in_dim3A_444, %ge3A_446 : vector<1x256xf32>
      %min3A_448 = arith.minimumf %select_n3A_428, %add3A_434 : vector<1x256xf32>
      %select_n3A_449 = arith.select %ge3A_447, %min3A_448, %select_n3A_428 : vector<1x256xi1>, vector<1x256xf32>
      %max3A_450 = arith.maximumf %select_n3A_430, %add3A_434 : vector<1x256xf32>
      %select_n3A_451 = arith.select %ge3A_447, %select_n3A_430, %max3A_450 : vector<1x256xi1>, vector<1x256xf32>
      %mul3A_452 = arith.constant 1.500000e+01 : f32
      %mul3A_453 = vector.broadcast %mul3A_452 : f32 to vector<1x256xf32>
      %mul3A_454 = arith.mulf %div3A_135, %mul3A_453 : vector<1x256xf32>
      %add3A_455 = arith.addf %sub3A_127, %mul3A_454 : vector<1x256xf32>
      %lt3A_456 = vector.broadcast %add3A_455 : vector<1x256xf32> to vector<2000x256xf32>
      %lt3A_457 = arith.cmpf olt, %dot_general3A_5, %lt3A_456 : vector<2000x256xf32>
      %jit3A_458 = arith.constant 1.000000e+00 : f32
      %jit3A_459 = arith.constant 0.000000e+00 : f32
      %broadcast_in_dim3A_460 = vector.broadcast %jit3A_458 : f32 to vector<2000x256xf32>
      %broadcast_in_dim3A_461 = vector.broadcast %jit3A_459 : f32 to vector<2000x256xf32>
      %select_n3A_462 = arith.select %lt3A_457, %broadcast_in_dim3A_460, %broadcast_in_dim3A_461 : vector<2000x256xi1>, vector<2000x256xf32>
      %reduce_sum3A_463 = arith.constant dense<0.000000e+00> : vector<256xf32>
      %reduce_sum3A_464 = vector.multi_reduction <add>, %select_n3A_462, %reduce_sum3A_463 [0] : vector<2000x256xf32> to vector<256xf32>
      %broadcast_in_dim3A_465 = vector.shape_cast %reduce_sum3A_464 : vector<256xf32> to vector<1x256xf32>
      %ge3A_466 = arith.constant 2.000000e+02 : f32
      %ge3A_467 = vector.broadcast %ge3A_466 : f32 to vector<1x256xf32>
      %ge3A_468 = arith.cmpf oge, %broadcast_in_dim3A_465, %ge3A_467 : vector<1x256xf32>
      %min3A_469 = arith.minimumf %select_n3A_449, %add3A_455 : vector<1x256xf32>
      %select_n3A_470 = arith.select %ge3A_468, %min3A_469, %select_n3A_449 : vector<1x256xi1>, vector<1x256xf32>
      %max3A_471 = arith.maximumf %select_n3A_451, %add3A_455 : vector<1x256xf32>
      %select_n3A_472 = arith.select %ge3A_468, %select_n3A_451, %max3A_471 : vector<1x256xi1>, vector<1x256xf32>
      %gt3A = arith.constant 9.99999968E+37 : f32
      %gt3A_473 = vector.broadcast %gt3A : f32 to vector<1x256xf32>
      %gt3A_474 = arith.cmpf ogt, %select_n3A_470, %gt3A_473 : vector<1x256xf32>
      %add3A_475 = arith.addf %select_n3A_472, %div3A_135 : vector<1x256xf32>
      %select_n3A_476 = arith.select %gt3A_474, %add3A_475, %select_n3A_470 : vector<1x256xi1>, vector<1x256xf32>
      %lt3A_477 = arith.constant -9.99999968E+37 : f32
      %lt3A_478 = vector.broadcast %lt3A_477 : f32 to vector<1x256xf32>
      %lt3A_479 = arith.cmpf olt, %select_n3A_472, %lt3A_478 : vector<1x256xf32>
      %sub3A_480 = arith.subf %select_n3A_476, %div3A_135 : vector<1x256xf32>
      %select_n3A_481 = arith.select %lt3A_479, %sub3A_480, %select_n3A_472 : vector<1x256xi1>, vector<1x256xf32>
      %sub3A_482 = arith.subf %select_n3A_476, %select_n3A_481 : vector<1x256xf32>
      %div3A_483 = arith.constant 1.500000e+01 : f32
      %div3A_484 = vector.broadcast %div3A_483 : f32 to vector<1x256xf32>
      %div3A_485 = arith.divf %sub3A_482, %div3A_484 : vector<1x256xf32>
      %broadcast_in_dim3A_486 = arith.constant -3.000000e+38 : f32
      %broadcast_in_dim3A_487 = vector.broadcast %broadcast_in_dim3A_486 : f32 to vector<1x256xf32>
      %broadcast_in_dim3A_488 = arith.constant 3.000000e+38 : f32
      %broadcast_in_dim3A_489 = vector.broadcast %broadcast_in_dim3A_488 : f32 to vector<1x256xf32>
      %mul3A_490 = arith.constant 0.000000e+00 : f32
      %mul3A_491 = vector.broadcast %mul3A_490 : f32 to vector<1x256xf32>
      %mul3A_492 = arith.mulf %div3A_485, %mul3A_491 : vector<1x256xf32>
      %add3A_493 = arith.addf %select_n3A_481, %mul3A_492 : vector<1x256xf32>
      %lt3A_494 = vector.broadcast %add3A_493 : vector<1x256xf32> to vector<2000x256xf32>
      %lt3A_495 = arith.cmpf olt, %dot_general3A_5, %lt3A_494 : vector<2000x256xf32>
      %jit3A_496 = arith.constant 1.000000e+00 : f32
      %jit3A_497 = arith.constant 0.000000e+00 : f32
      %broadcast_in_dim3A_498 = vector.broadcast %jit3A_496 : f32 to vector<2000x256xf32>
      %broadcast_in_dim3A_499 = vector.broadcast %jit3A_497 : f32 to vector<2000x256xf32>
      %select_n3A_500 = arith.select %lt3A_495, %broadcast_in_dim3A_498, %broadcast_in_dim3A_499 : vector<2000x256xi1>, vector<2000x256xf32>
      %reduce_sum3A_501 = arith.constant dense<0.000000e+00> : vector<256xf32>
      %reduce_sum3A_502 = vector.multi_reduction <add>, %select_n3A_500, %reduce_sum3A_501 [0] : vector<2000x256xf32> to vector<256xf32>
      %broadcast_in_dim3A_503 = vector.shape_cast %reduce_sum3A_502 : vector<256xf32> to vector<1x256xf32>
      %ge3A_504 = arith.constant 2.000000e+02 : f32
      %ge3A_505 = vector.broadcast %ge3A_504 : f32 to vector<1x256xf32>
      %ge3A_506 = arith.cmpf oge, %broadcast_in_dim3A_503, %ge3A_505 : vector<1x256xf32>
      %min3A_507 = arith.minimumf %broadcast_in_dim3A_489, %add3A_493 : vector<1x256xf32>
      %select_n3A_508 = arith.select %ge3A_506, %min3A_507, %broadcast_in_dim3A_489 : vector<1x256xi1>, vector<1x256xf32>
      %max3A_509 = arith.maximumf %broadcast_in_dim3A_487, %add3A_493 : vector<1x256xf32>
      %select_n3A_510 = arith.select %ge3A_506, %broadcast_in_dim3A_487, %max3A_509 : vector<1x256xi1>, vector<1x256xf32>
      %mul3A_511 = arith.constant 1.000000e+00 : f32
      %mul3A_512 = vector.broadcast %mul3A_511 : f32 to vector<1x256xf32>
      %mul3A_513 = arith.mulf %div3A_485, %mul3A_512 : vector<1x256xf32>
      %add3A_514 = arith.addf %select_n3A_481, %mul3A_513 : vector<1x256xf32>
      %lt3A_515 = vector.broadcast %add3A_514 : vector<1x256xf32> to vector<2000x256xf32>
      %lt3A_516 = arith.cmpf olt, %dot_general3A_5, %lt3A_515 : vector<2000x256xf32>
      %jit3A_517 = arith.constant 1.000000e+00 : f32
      %jit3A_518 = arith.constant 0.000000e+00 : f32
      %broadcast_in_dim3A_519 = vector.broadcast %jit3A_517 : f32 to vector<2000x256xf32>
      %broadcast_in_dim3A_520 = vector.broadcast %jit3A_518 : f32 to vector<2000x256xf32>
      %select_n3A_521 = arith.select %lt3A_516, %broadcast_in_dim3A_519, %broadcast_in_dim3A_520 : vector<2000x256xi1>, vector<2000x256xf32>
      %reduce_sum3A_522 = arith.constant dense<0.000000e+00> : vector<256xf32>
      %reduce_sum3A_523 = vector.multi_reduction <add>, %select_n3A_521, %reduce_sum3A_522 [0] : vector<2000x256xf32> to vector<256xf32>
      %broadcast_in_dim3A_524 = vector.shape_cast %reduce_sum3A_523 : vector<256xf32> to vector<1x256xf32>
      %ge3A_525 = arith.constant 2.000000e+02 : f32
      %ge3A_526 = vector.broadcast %ge3A_525 : f32 to vector<1x256xf32>
      %ge3A_527 = arith.cmpf oge, %broadcast_in_dim3A_524, %ge3A_526 : vector<1x256xf32>
      %min3A_528 = arith.minimumf %select_n3A_508, %add3A_514 : vector<1x256xf32>
      %select_n3A_529 = arith.select %ge3A_527, %min3A_528, %select_n3A_508 : vector<1x256xi1>, vector<1x256xf32>
      %max3A_530 = arith.maximumf %select_n3A_510, %add3A_514 : vector<1x256xf32>
      %select_n3A_531 = arith.select %ge3A_527, %select_n3A_510, %max3A_530 : vector<1x256xi1>, vector<1x256xf32>
      %mul3A_532 = arith.constant 2.000000e+00 : f32
      %mul3A_533 = vector.broadcast %mul3A_532 : f32 to vector<1x256xf32>
      %mul3A_534 = arith.mulf %div3A_485, %mul3A_533 : vector<1x256xf32>
      %add3A_535 = arith.addf %select_n3A_481, %mul3A_534 : vector<1x256xf32>
      %lt3A_536 = vector.broadcast %add3A_535 : vector<1x256xf32> to vector<2000x256xf32>
      %lt3A_537 = arith.cmpf olt, %dot_general3A_5, %lt3A_536 : vector<2000x256xf32>
      %jit3A_538 = arith.constant 1.000000e+00 : f32
      %jit3A_539 = arith.constant 0.000000e+00 : f32
      %broadcast_in_dim3A_540 = vector.broadcast %jit3A_538 : f32 to vector<2000x256xf32>
      %broadcast_in_dim3A_541 = vector.broadcast %jit3A_539 : f32 to vector<2000x256xf32>
      %select_n3A_542 = arith.select %lt3A_537, %broadcast_in_dim3A_540, %broadcast_in_dim3A_541 : vector<2000x256xi1>, vector<2000x256xf32>
      %reduce_sum3A_543 = arith.constant dense<0.000000e+00> : vector<256xf32>
      %reduce_sum3A_544 = vector.multi_reduction <add>, %select_n3A_542, %reduce_sum3A_543 [0] : vector<2000x256xf32> to vector<256xf32>
      %broadcast_in_dim3A_545 = vector.shape_cast %reduce_sum3A_544 : vector<256xf32> to vector<1x256xf32>
      %ge3A_546 = arith.constant 2.000000e+02 : f32
      %ge3A_547 = vector.broadcast %ge3A_546 : f32 to vector<1x256xf32>
      %ge3A_548 = arith.cmpf oge, %broadcast_in_dim3A_545, %ge3A_547 : vector<1x256xf32>
      %min3A_549 = arith.minimumf %select_n3A_529, %add3A_535 : vector<1x256xf32>
      %select_n3A_550 = arith.select %ge3A_548, %min3A_549, %select_n3A_529 : vector<1x256xi1>, vector<1x256xf32>
      %max3A_551 = arith.maximumf %select_n3A_531, %add3A_535 : vector<1x256xf32>
      %select_n3A_552 = arith.select %ge3A_548, %select_n3A_531, %max3A_551 : vector<1x256xi1>, vector<1x256xf32>
      %mul3A_553 = arith.constant 3.000000e+00 : f32
      %mul3A_554 = vector.broadcast %mul3A_553 : f32 to vector<1x256xf32>
      %mul3A_555 = arith.mulf %div3A_485, %mul3A_554 : vector<1x256xf32>
      %add3A_556 = arith.addf %select_n3A_481, %mul3A_555 : vector<1x256xf32>
      %lt3A_557 = vector.broadcast %add3A_556 : vector<1x256xf32> to vector<2000x256xf32>
      %lt3A_558 = arith.cmpf olt, %dot_general3A_5, %lt3A_557 : vector<2000x256xf32>
      %jit3A_559 = arith.constant 1.000000e+00 : f32
      %jit3A_560 = arith.constant 0.000000e+00 : f32
      %broadcast_in_dim3A_561 = vector.broadcast %jit3A_559 : f32 to vector<2000x256xf32>
      %broadcast_in_dim3A_562 = vector.broadcast %jit3A_560 : f32 to vector<2000x256xf32>
      %select_n3A_563 = arith.select %lt3A_558, %broadcast_in_dim3A_561, %broadcast_in_dim3A_562 : vector<2000x256xi1>, vector<2000x256xf32>
      %reduce_sum3A_564 = arith.constant dense<0.000000e+00> : vector<256xf32>
      %reduce_sum3A_565 = vector.multi_reduction <add>, %select_n3A_563, %reduce_sum3A_564 [0] : vector<2000x256xf32> to vector<256xf32>
      %broadcast_in_dim3A_566 = vector.shape_cast %reduce_sum3A_565 : vector<256xf32> to vector<1x256xf32>
      %ge3A_567 = arith.constant 2.000000e+02 : f32
      %ge3A_568 = vector.broadcast %ge3A_567 : f32 to vector<1x256xf32>
      %ge3A_569 = arith.cmpf oge, %broadcast_in_dim3A_566, %ge3A_568 : vector<1x256xf32>
      %min3A_570 = arith.minimumf %select_n3A_550, %add3A_556 : vector<1x256xf32>
      %select_n3A_571 = arith.select %ge3A_569, %min3A_570, %select_n3A_550 : vector<1x256xi1>, vector<1x256xf32>
      %max3A_572 = arith.maximumf %select_n3A_552, %add3A_556 : vector<1x256xf32>
      %select_n3A_573 = arith.select %ge3A_569, %select_n3A_552, %max3A_572 : vector<1x256xi1>, vector<1x256xf32>
      %mul3A_574 = arith.constant 4.000000e+00 : f32
      %mul3A_575 = vector.broadcast %mul3A_574 : f32 to vector<1x256xf32>
      %mul3A_576 = arith.mulf %div3A_485, %mul3A_575 : vector<1x256xf32>
      %add3A_577 = arith.addf %select_n3A_481, %mul3A_576 : vector<1x256xf32>
      %lt3A_578 = vector.broadcast %add3A_577 : vector<1x256xf32> to vector<2000x256xf32>
      %lt3A_579 = arith.cmpf olt, %dot_general3A_5, %lt3A_578 : vector<2000x256xf32>
      %jit3A_580 = arith.constant 1.000000e+00 : f32
      %jit3A_581 = arith.constant 0.000000e+00 : f32
      %broadcast_in_dim3A_582 = vector.broadcast %jit3A_580 : f32 to vector<2000x256xf32>
      %broadcast_in_dim3A_583 = vector.broadcast %jit3A_581 : f32 to vector<2000x256xf32>
      %select_n3A_584 = arith.select %lt3A_579, %broadcast_in_dim3A_582, %broadcast_in_dim3A_583 : vector<2000x256xi1>, vector<2000x256xf32>
      %reduce_sum3A_585 = arith.constant dense<0.000000e+00> : vector<256xf32>
      %reduce_sum3A_586 = vector.multi_reduction <add>, %select_n3A_584, %reduce_sum3A_585 [0] : vector<2000x256xf32> to vector<256xf32>
      %broadcast_in_dim3A_587 = vector.shape_cast %reduce_sum3A_586 : vector<256xf32> to vector<1x256xf32>
      %ge3A_588 = arith.constant 2.000000e+02 : f32
      %ge3A_589 = vector.broadcast %ge3A_588 : f32 to vector<1x256xf32>
      %ge3A_590 = arith.cmpf oge, %broadcast_in_dim3A_587, %ge3A_589 : vector<1x256xf32>
      %min3A_591 = arith.minimumf %select_n3A_571, %add3A_577 : vector<1x256xf32>
      %select_n3A_592 = arith.select %ge3A_590, %min3A_591, %select_n3A_571 : vector<1x256xi1>, vector<1x256xf32>
      %max3A_593 = arith.maximumf %select_n3A_573, %add3A_577 : vector<1x256xf32>
      %select_n3A_594 = arith.select %ge3A_590, %select_n3A_573, %max3A_593 : vector<1x256xi1>, vector<1x256xf32>
      %mul3A_595 = arith.constant 5.000000e+00 : f32
      %mul3A_596 = vector.broadcast %mul3A_595 : f32 to vector<1x256xf32>
      %mul3A_597 = arith.mulf %div3A_485, %mul3A_596 : vector<1x256xf32>
      %add3A_598 = arith.addf %select_n3A_481, %mul3A_597 : vector<1x256xf32>
      %lt3A_599 = vector.broadcast %add3A_598 : vector<1x256xf32> to vector<2000x256xf32>
      %lt3A_600 = arith.cmpf olt, %dot_general3A_5, %lt3A_599 : vector<2000x256xf32>
      %jit3A_601 = arith.constant 1.000000e+00 : f32
      %jit3A_602 = arith.constant 0.000000e+00 : f32
      %broadcast_in_dim3A_603 = vector.broadcast %jit3A_601 : f32 to vector<2000x256xf32>
      %broadcast_in_dim3A_604 = vector.broadcast %jit3A_602 : f32 to vector<2000x256xf32>
      %select_n3A_605 = arith.select %lt3A_600, %broadcast_in_dim3A_603, %broadcast_in_dim3A_604 : vector<2000x256xi1>, vector<2000x256xf32>
      %reduce_sum3A_606 = arith.constant dense<0.000000e+00> : vector<256xf32>
      %reduce_sum3A_607 = vector.multi_reduction <add>, %select_n3A_605, %reduce_sum3A_606 [0] : vector<2000x256xf32> to vector<256xf32>
      %broadcast_in_dim3A_608 = vector.shape_cast %reduce_sum3A_607 : vector<256xf32> to vector<1x256xf32>
      %ge3A_609 = arith.constant 2.000000e+02 : f32
      %ge3A_610 = vector.broadcast %ge3A_609 : f32 to vector<1x256xf32>
      %ge3A_611 = arith.cmpf oge, %broadcast_in_dim3A_608, %ge3A_610 : vector<1x256xf32>
      %min3A_612 = arith.minimumf %select_n3A_592, %add3A_598 : vector<1x256xf32>
      %select_n3A_613 = arith.select %ge3A_611, %min3A_612, %select_n3A_592 : vector<1x256xi1>, vector<1x256xf32>
      %max3A_614 = arith.maximumf %select_n3A_594, %add3A_598 : vector<1x256xf32>
      %select_n3A_615 = arith.select %ge3A_611, %select_n3A_594, %max3A_614 : vector<1x256xi1>, vector<1x256xf32>
      %mul3A_616 = arith.constant 6.000000e+00 : f32
      %mul3A_617 = vector.broadcast %mul3A_616 : f32 to vector<1x256xf32>
      %mul3A_618 = arith.mulf %div3A_485, %mul3A_617 : vector<1x256xf32>
      %add3A_619 = arith.addf %select_n3A_481, %mul3A_618 : vector<1x256xf32>
      %lt3A_620 = vector.broadcast %add3A_619 : vector<1x256xf32> to vector<2000x256xf32>
      %lt3A_621 = arith.cmpf olt, %dot_general3A_5, %lt3A_620 : vector<2000x256xf32>
      %jit3A_622 = arith.constant 1.000000e+00 : f32
      %jit3A_623 = arith.constant 0.000000e+00 : f32
      %broadcast_in_dim3A_624 = vector.broadcast %jit3A_622 : f32 to vector<2000x256xf32>
      %broadcast_in_dim3A_625 = vector.broadcast %jit3A_623 : f32 to vector<2000x256xf32>
      %select_n3A_626 = arith.select %lt3A_621, %broadcast_in_dim3A_624, %broadcast_in_dim3A_625 : vector<2000x256xi1>, vector<2000x256xf32>
      %reduce_sum3A_627 = arith.constant dense<0.000000e+00> : vector<256xf32>
      %reduce_sum3A_628 = vector.multi_reduction <add>, %select_n3A_626, %reduce_sum3A_627 [0] : vector<2000x256xf32> to vector<256xf32>
      %broadcast_in_dim3A_629 = vector.shape_cast %reduce_sum3A_628 : vector<256xf32> to vector<1x256xf32>
      %ge3A_630 = arith.constant 2.000000e+02 : f32
      %ge3A_631 = vector.broadcast %ge3A_630 : f32 to vector<1x256xf32>
      %ge3A_632 = arith.cmpf oge, %broadcast_in_dim3A_629, %ge3A_631 : vector<1x256xf32>
      %min3A_633 = arith.minimumf %select_n3A_613, %add3A_619 : vector<1x256xf32>
      %select_n3A_634 = arith.select %ge3A_632, %min3A_633, %select_n3A_613 : vector<1x256xi1>, vector<1x256xf32>
      %max3A_635 = arith.maximumf %select_n3A_615, %add3A_619 : vector<1x256xf32>
      %select_n3A_636 = arith.select %ge3A_632, %select_n3A_615, %max3A_635 : vector<1x256xi1>, vector<1x256xf32>
      %mul3A_637 = arith.constant 7.000000e+00 : f32
      %mul3A_638 = vector.broadcast %mul3A_637 : f32 to vector<1x256xf32>
      %mul3A_639 = arith.mulf %div3A_485, %mul3A_638 : vector<1x256xf32>
      %add3A_640 = arith.addf %select_n3A_481, %mul3A_639 : vector<1x256xf32>
      %lt3A_641 = vector.broadcast %add3A_640 : vector<1x256xf32> to vector<2000x256xf32>
      %lt3A_642 = arith.cmpf olt, %dot_general3A_5, %lt3A_641 : vector<2000x256xf32>
      %jit3A_643 = arith.constant 1.000000e+00 : f32
      %jit3A_644 = arith.constant 0.000000e+00 : f32
      %broadcast_in_dim3A_645 = vector.broadcast %jit3A_643 : f32 to vector<2000x256xf32>
      %broadcast_in_dim3A_646 = vector.broadcast %jit3A_644 : f32 to vector<2000x256xf32>
      %select_n3A_647 = arith.select %lt3A_642, %broadcast_in_dim3A_645, %broadcast_in_dim3A_646 : vector<2000x256xi1>, vector<2000x256xf32>
      %reduce_sum3A_648 = arith.constant dense<0.000000e+00> : vector<256xf32>
      %reduce_sum3A_649 = vector.multi_reduction <add>, %select_n3A_647, %reduce_sum3A_648 [0] : vector<2000x256xf32> to vector<256xf32>
      %broadcast_in_dim3A_650 = vector.shape_cast %reduce_sum3A_649 : vector<256xf32> to vector<1x256xf32>
      %ge3A_651 = arith.constant 2.000000e+02 : f32
      %ge3A_652 = vector.broadcast %ge3A_651 : f32 to vector<1x256xf32>
      %ge3A_653 = arith.cmpf oge, %broadcast_in_dim3A_650, %ge3A_652 : vector<1x256xf32>
      %min3A_654 = arith.minimumf %select_n3A_634, %add3A_640 : vector<1x256xf32>
      %select_n3A_655 = arith.select %ge3A_653, %min3A_654, %select_n3A_634 : vector<1x256xi1>, vector<1x256xf32>
      %max3A_656 = arith.maximumf %select_n3A_636, %add3A_640 : vector<1x256xf32>
      %select_n3A_657 = arith.select %ge3A_653, %select_n3A_636, %max3A_656 : vector<1x256xi1>, vector<1x256xf32>
      %mul3A_658 = arith.constant 8.000000e+00 : f32
      %mul3A_659 = vector.broadcast %mul3A_658 : f32 to vector<1x256xf32>
      %mul3A_660 = arith.mulf %div3A_485, %mul3A_659 : vector<1x256xf32>
      %add3A_661 = arith.addf %select_n3A_481, %mul3A_660 : vector<1x256xf32>
      %lt3A_662 = vector.broadcast %add3A_661 : vector<1x256xf32> to vector<2000x256xf32>
      %lt3A_663 = arith.cmpf olt, %dot_general3A_5, %lt3A_662 : vector<2000x256xf32>
      %jit3A_664 = arith.constant 1.000000e+00 : f32
      %jit3A_665 = arith.constant 0.000000e+00 : f32
      %broadcast_in_dim3A_666 = vector.broadcast %jit3A_664 : f32 to vector<2000x256xf32>
      %broadcast_in_dim3A_667 = vector.broadcast %jit3A_665 : f32 to vector<2000x256xf32>
      %select_n3A_668 = arith.select %lt3A_663, %broadcast_in_dim3A_666, %broadcast_in_dim3A_667 : vector<2000x256xi1>, vector<2000x256xf32>
      %reduce_sum3A_669 = arith.constant dense<0.000000e+00> : vector<256xf32>
      %reduce_sum3A_670 = vector.multi_reduction <add>, %select_n3A_668, %reduce_sum3A_669 [0] : vector<2000x256xf32> to vector<256xf32>
      %broadcast_in_dim3A_671 = vector.shape_cast %reduce_sum3A_670 : vector<256xf32> to vector<1x256xf32>
      %ge3A_672 = arith.constant 2.000000e+02 : f32
      %ge3A_673 = vector.broadcast %ge3A_672 : f32 to vector<1x256xf32>
      %ge3A_674 = arith.cmpf oge, %broadcast_in_dim3A_671, %ge3A_673 : vector<1x256xf32>
      %min3A_675 = arith.minimumf %select_n3A_655, %add3A_661 : vector<1x256xf32>
      %select_n3A_676 = arith.select %ge3A_674, %min3A_675, %select_n3A_655 : vector<1x256xi1>, vector<1x256xf32>
      %max3A_677 = arith.maximumf %select_n3A_657, %add3A_661 : vector<1x256xf32>
      %select_n3A_678 = arith.select %ge3A_674, %select_n3A_657, %max3A_677 : vector<1x256xi1>, vector<1x256xf32>
      %mul3A_679 = arith.constant 9.000000e+00 : f32
      %mul3A_680 = vector.broadcast %mul3A_679 : f32 to vector<1x256xf32>
      %mul3A_681 = arith.mulf %div3A_485, %mul3A_680 : vector<1x256xf32>
      %add3A_682 = arith.addf %select_n3A_481, %mul3A_681 : vector<1x256xf32>
      %lt3A_683 = vector.broadcast %add3A_682 : vector<1x256xf32> to vector<2000x256xf32>
      %lt3A_684 = arith.cmpf olt, %dot_general3A_5, %lt3A_683 : vector<2000x256xf32>
      %jit3A_685 = arith.constant 1.000000e+00 : f32
      %jit3A_686 = arith.constant 0.000000e+00 : f32
      %broadcast_in_dim3A_687 = vector.broadcast %jit3A_685 : f32 to vector<2000x256xf32>
      %broadcast_in_dim3A_688 = vector.broadcast %jit3A_686 : f32 to vector<2000x256xf32>
      %select_n3A_689 = arith.select %lt3A_684, %broadcast_in_dim3A_687, %broadcast_in_dim3A_688 : vector<2000x256xi1>, vector<2000x256xf32>
      %reduce_sum3A_690 = arith.constant dense<0.000000e+00> : vector<256xf32>
      %reduce_sum3A_691 = vector.multi_reduction <add>, %select_n3A_689, %reduce_sum3A_690 [0] : vector<2000x256xf32> to vector<256xf32>
      %broadcast_in_dim3A_692 = vector.shape_cast %reduce_sum3A_691 : vector<256xf32> to vector<1x256xf32>
      %ge3A_693 = arith.constant 2.000000e+02 : f32
      %ge3A_694 = vector.broadcast %ge3A_693 : f32 to vector<1x256xf32>
      %ge3A_695 = arith.cmpf oge, %broadcast_in_dim3A_692, %ge3A_694 : vector<1x256xf32>
      %min3A_696 = arith.minimumf %select_n3A_676, %add3A_682 : vector<1x256xf32>
      %select_n3A_697 = arith.select %ge3A_695, %min3A_696, %select_n3A_676 : vector<1x256xi1>, vector<1x256xf32>
      %max3A_698 = arith.maximumf %select_n3A_678, %add3A_682 : vector<1x256xf32>
      %select_n3A_699 = arith.select %ge3A_695, %select_n3A_678, %max3A_698 : vector<1x256xi1>, vector<1x256xf32>
      %mul3A_700 = arith.constant 1.000000e+01 : f32
      %mul3A_701 = vector.broadcast %mul3A_700 : f32 to vector<1x256xf32>
      %mul3A_702 = arith.mulf %div3A_485, %mul3A_701 : vector<1x256xf32>
      %add3A_703 = arith.addf %select_n3A_481, %mul3A_702 : vector<1x256xf32>
      %lt3A_704 = vector.broadcast %add3A_703 : vector<1x256xf32> to vector<2000x256xf32>
      %lt3A_705 = arith.cmpf olt, %dot_general3A_5, %lt3A_704 : vector<2000x256xf32>
      %jit3A_706 = arith.constant 1.000000e+00 : f32
      %jit3A_707 = arith.constant 0.000000e+00 : f32
      %broadcast_in_dim3A_708 = vector.broadcast %jit3A_706 : f32 to vector<2000x256xf32>
      %broadcast_in_dim3A_709 = vector.broadcast %jit3A_707 : f32 to vector<2000x256xf32>
      %select_n3A_710 = arith.select %lt3A_705, %broadcast_in_dim3A_708, %broadcast_in_dim3A_709 : vector<2000x256xi1>, vector<2000x256xf32>
      %reduce_sum3A_711 = arith.constant dense<0.000000e+00> : vector<256xf32>
      %reduce_sum3A_712 = vector.multi_reduction <add>, %select_n3A_710, %reduce_sum3A_711 [0] : vector<2000x256xf32> to vector<256xf32>
      %broadcast_in_dim3A_713 = vector.shape_cast %reduce_sum3A_712 : vector<256xf32> to vector<1x256xf32>
      %ge3A_714 = arith.constant 2.000000e+02 : f32
      %ge3A_715 = vector.broadcast %ge3A_714 : f32 to vector<1x256xf32>
      %ge3A_716 = arith.cmpf oge, %broadcast_in_dim3A_713, %ge3A_715 : vector<1x256xf32>
      %min3A_717 = arith.minimumf %select_n3A_697, %add3A_703 : vector<1x256xf32>
      %select_n3A_718 = arith.select %ge3A_716, %min3A_717, %select_n3A_697 : vector<1x256xi1>, vector<1x256xf32>
      %max3A_719 = arith.maximumf %select_n3A_699, %add3A_703 : vector<1x256xf32>
      %select_n3A_720 = arith.select %ge3A_716, %select_n3A_699, %max3A_719 : vector<1x256xi1>, vector<1x256xf32>
      %mul3A_721 = arith.constant 1.100000e+01 : f32
      %mul3A_722 = vector.broadcast %mul3A_721 : f32 to vector<1x256xf32>
      %mul3A_723 = arith.mulf %div3A_485, %mul3A_722 : vector<1x256xf32>
      %add3A_724 = arith.addf %select_n3A_481, %mul3A_723 : vector<1x256xf32>
      %lt3A_725 = vector.broadcast %add3A_724 : vector<1x256xf32> to vector<2000x256xf32>
      %lt3A_726 = arith.cmpf olt, %dot_general3A_5, %lt3A_725 : vector<2000x256xf32>
      %jit3A_727 = arith.constant 1.000000e+00 : f32
      %jit3A_728 = arith.constant 0.000000e+00 : f32
      %broadcast_in_dim3A_729 = vector.broadcast %jit3A_727 : f32 to vector<2000x256xf32>
      %broadcast_in_dim3A_730 = vector.broadcast %jit3A_728 : f32 to vector<2000x256xf32>
      %select_n3A_731 = arith.select %lt3A_726, %broadcast_in_dim3A_729, %broadcast_in_dim3A_730 : vector<2000x256xi1>, vector<2000x256xf32>
      %reduce_sum3A_732 = arith.constant dense<0.000000e+00> : vector<256xf32>
      %reduce_sum3A_733 = vector.multi_reduction <add>, %select_n3A_731, %reduce_sum3A_732 [0] : vector<2000x256xf32> to vector<256xf32>
      %broadcast_in_dim3A_734 = vector.shape_cast %reduce_sum3A_733 : vector<256xf32> to vector<1x256xf32>
      %ge3A_735 = arith.constant 2.000000e+02 : f32
      %ge3A_736 = vector.broadcast %ge3A_735 : f32 to vector<1x256xf32>
      %ge3A_737 = arith.cmpf oge, %broadcast_in_dim3A_734, %ge3A_736 : vector<1x256xf32>
      %min3A_738 = arith.minimumf %select_n3A_718, %add3A_724 : vector<1x256xf32>
      %select_n3A_739 = arith.select %ge3A_737, %min3A_738, %select_n3A_718 : vector<1x256xi1>, vector<1x256xf32>
      %max3A_740 = arith.maximumf %select_n3A_720, %add3A_724 : vector<1x256xf32>
      %select_n3A_741 = arith.select %ge3A_737, %select_n3A_720, %max3A_740 : vector<1x256xi1>, vector<1x256xf32>
      %mul3A_742 = arith.constant 1.200000e+01 : f32
      %mul3A_743 = vector.broadcast %mul3A_742 : f32 to vector<1x256xf32>
      %mul3A_744 = arith.mulf %div3A_485, %mul3A_743 : vector<1x256xf32>
      %add3A_745 = arith.addf %select_n3A_481, %mul3A_744 : vector<1x256xf32>
      %lt3A_746 = vector.broadcast %add3A_745 : vector<1x256xf32> to vector<2000x256xf32>
      %lt3A_747 = arith.cmpf olt, %dot_general3A_5, %lt3A_746 : vector<2000x256xf32>
      %jit3A_748 = arith.constant 1.000000e+00 : f32
      %jit3A_749 = arith.constant 0.000000e+00 : f32
      %broadcast_in_dim3A_750 = vector.broadcast %jit3A_748 : f32 to vector<2000x256xf32>
      %broadcast_in_dim3A_751 = vector.broadcast %jit3A_749 : f32 to vector<2000x256xf32>
      %select_n3A_752 = arith.select %lt3A_747, %broadcast_in_dim3A_750, %broadcast_in_dim3A_751 : vector<2000x256xi1>, vector<2000x256xf32>
      %reduce_sum3A_753 = arith.constant dense<0.000000e+00> : vector<256xf32>
      %reduce_sum3A_754 = vector.multi_reduction <add>, %select_n3A_752, %reduce_sum3A_753 [0] : vector<2000x256xf32> to vector<256xf32>
      %broadcast_in_dim3A_755 = vector.shape_cast %reduce_sum3A_754 : vector<256xf32> to vector<1x256xf32>
      %ge3A_756 = arith.constant 2.000000e+02 : f32
      %ge3A_757 = vector.broadcast %ge3A_756 : f32 to vector<1x256xf32>
      %ge3A_758 = arith.cmpf oge, %broadcast_in_dim3A_755, %ge3A_757 : vector<1x256xf32>
      %min3A_759 = arith.minimumf %select_n3A_739, %add3A_745 : vector<1x256xf32>
      %select_n3A_760 = arith.select %ge3A_758, %min3A_759, %select_n3A_739 : vector<1x256xi1>, vector<1x256xf32>
      %max3A_761 = arith.maximumf %select_n3A_741, %add3A_745 : vector<1x256xf32>
      %select_n3A_762 = arith.select %ge3A_758, %select_n3A_741, %max3A_761 : vector<1x256xi1>, vector<1x256xf32>
      %mul3A_763 = arith.constant 1.300000e+01 : f32
      %mul3A_764 = vector.broadcast %mul3A_763 : f32 to vector<1x256xf32>
      %mul3A_765 = arith.mulf %div3A_485, %mul3A_764 : vector<1x256xf32>
      %add3A_766 = arith.addf %select_n3A_481, %mul3A_765 : vector<1x256xf32>
      %lt3A_767 = vector.broadcast %add3A_766 : vector<1x256xf32> to vector<2000x256xf32>
      %lt3A_768 = arith.cmpf olt, %dot_general3A_5, %lt3A_767 : vector<2000x256xf32>
      %jit3A_769 = arith.constant 1.000000e+00 : f32
      %jit3A_770 = arith.constant 0.000000e+00 : f32
      %broadcast_in_dim3A_771 = vector.broadcast %jit3A_769 : f32 to vector<2000x256xf32>
      %broadcast_in_dim3A_772 = vector.broadcast %jit3A_770 : f32 to vector<2000x256xf32>
      %select_n3A_773 = arith.select %lt3A_768, %broadcast_in_dim3A_771, %broadcast_in_dim3A_772 : vector<2000x256xi1>, vector<2000x256xf32>
      %reduce_sum3A_774 = arith.constant dense<0.000000e+00> : vector<256xf32>
      %reduce_sum3A_775 = vector.multi_reduction <add>, %select_n3A_773, %reduce_sum3A_774 [0] : vector<2000x256xf32> to vector<256xf32>
      %broadcast_in_dim3A_776 = vector.shape_cast %reduce_sum3A_775 : vector<256xf32> to vector<1x256xf32>
      %ge3A_777 = arith.constant 2.000000e+02 : f32
      %ge3A_778 = vector.broadcast %ge3A_777 : f32 to vector<1x256xf32>
      %ge3A_779 = arith.cmpf oge, %broadcast_in_dim3A_776, %ge3A_778 : vector<1x256xf32>
      %min3A_780 = arith.minimumf %select_n3A_760, %add3A_766 : vector<1x256xf32>
      %select_n3A_781 = arith.select %ge3A_779, %min3A_780, %select_n3A_760 : vector<1x256xi1>, vector<1x256xf32>
      %max3A_782 = arith.maximumf %select_n3A_762, %add3A_766 : vector<1x256xf32>
      %select_n3A_783 = arith.select %ge3A_779, %select_n3A_762, %max3A_782 : vector<1x256xi1>, vector<1x256xf32>
      %mul3A_784 = arith.constant 1.400000e+01 : f32
      %mul3A_785 = vector.broadcast %mul3A_784 : f32 to vector<1x256xf32>
      %mul3A_786 = arith.mulf %div3A_485, %mul3A_785 : vector<1x256xf32>
      %add3A_787 = arith.addf %select_n3A_481, %mul3A_786 : vector<1x256xf32>
      %lt3A_788 = vector.broadcast %add3A_787 : vector<1x256xf32> to vector<2000x256xf32>
      %lt3A_789 = arith.cmpf olt, %dot_general3A_5, %lt3A_788 : vector<2000x256xf32>
      %jit3A_790 = arith.constant 1.000000e+00 : f32
      %jit3A_791 = arith.constant 0.000000e+00 : f32
      %broadcast_in_dim3A_792 = vector.broadcast %jit3A_790 : f32 to vector<2000x256xf32>
      %broadcast_in_dim3A_793 = vector.broadcast %jit3A_791 : f32 to vector<2000x256xf32>
      %select_n3A_794 = arith.select %lt3A_789, %broadcast_in_dim3A_792, %broadcast_in_dim3A_793 : vector<2000x256xi1>, vector<2000x256xf32>
      %reduce_sum3A_795 = arith.constant dense<0.000000e+00> : vector<256xf32>
      %reduce_sum3A_796 = vector.multi_reduction <add>, %select_n3A_794, %reduce_sum3A_795 [0] : vector<2000x256xf32> to vector<256xf32>
      %broadcast_in_dim3A_797 = vector.shape_cast %reduce_sum3A_796 : vector<256xf32> to vector<1x256xf32>
      %ge3A_798 = arith.constant 2.000000e+02 : f32
      %ge3A_799 = vector.broadcast %ge3A_798 : f32 to vector<1x256xf32>
      %ge3A_800 = arith.cmpf oge, %broadcast_in_dim3A_797, %ge3A_799 : vector<1x256xf32>
      %min3A_801 = arith.minimumf %select_n3A_781, %add3A_787 : vector<1x256xf32>
      %select_n3A_802 = arith.select %ge3A_800, %min3A_801, %select_n3A_781 : vector<1x256xi1>, vector<1x256xf32>
      %max3A_803 = arith.maximumf %select_n3A_783, %add3A_787 : vector<1x256xf32>
      %select_n3A_804 = arith.select %ge3A_800, %select_n3A_783, %max3A_803 : vector<1x256xi1>, vector<1x256xf32>
      %mul3A_805 = arith.constant 1.500000e+01 : f32
      %mul3A_806 = vector.broadcast %mul3A_805 : f32 to vector<1x256xf32>
      %mul3A_807 = arith.mulf %div3A_485, %mul3A_806 : vector<1x256xf32>
      %add3A_808 = arith.addf %select_n3A_481, %mul3A_807 : vector<1x256xf32>
      %lt3A_809 = vector.broadcast %add3A_808 : vector<1x256xf32> to vector<2000x256xf32>
      %lt3A_810 = arith.cmpf olt, %dot_general3A_5, %lt3A_809 : vector<2000x256xf32>
      %jit3A_811 = arith.constant 1.000000e+00 : f32
      %jit3A_812 = arith.constant 0.000000e+00 : f32
      %broadcast_in_dim3A_813 = vector.broadcast %jit3A_811 : f32 to vector<2000x256xf32>
      %broadcast_in_dim3A_814 = vector.broadcast %jit3A_812 : f32 to vector<2000x256xf32>
      %select_n3A_815 = arith.select %lt3A_810, %broadcast_in_dim3A_813, %broadcast_in_dim3A_814 : vector<2000x256xi1>, vector<2000x256xf32>
      %reduce_sum3A_816 = arith.constant dense<0.000000e+00> : vector<256xf32>
      %reduce_sum3A_817 = vector.multi_reduction <add>, %select_n3A_815, %reduce_sum3A_816 [0] : vector<2000x256xf32> to vector<256xf32>
      %broadcast_in_dim3A_818 = vector.shape_cast %reduce_sum3A_817 : vector<256xf32> to vector<1x256xf32>
      %ge3A_819 = arith.constant 2.000000e+02 : f32
      %ge3A_820 = vector.broadcast %ge3A_819 : f32 to vector<1x256xf32>
      %ge3A_821 = arith.cmpf oge, %broadcast_in_dim3A_818, %ge3A_820 : vector<1x256xf32>
      %min3A_822 = arith.minimumf %select_n3A_802, %add3A_808 : vector<1x256xf32>
      %select_n3A_823 = arith.select %ge3A_821, %min3A_822, %select_n3A_802 : vector<1x256xi1>, vector<1x256xf32>
      %max3A_824 = arith.maximumf %select_n3A_804, %add3A_808 : vector<1x256xf32>
      %select_n3A_825 = arith.select %ge3A_821, %select_n3A_804, %max3A_824 : vector<1x256xi1>, vector<1x256xf32>
      %gt3A_826 = arith.constant 9.99999968E+37 : f32
      %gt3A_827 = vector.broadcast %gt3A_826 : f32 to vector<1x256xf32>
      %gt3A_828 = arith.cmpf ogt, %select_n3A_823, %gt3A_827 : vector<1x256xf32>
      %add3A_829 = arith.addf %select_n3A_825, %div3A_485 : vector<1x256xf32>
      %select_n3A_830 = arith.select %gt3A_828, %add3A_829, %select_n3A_823 : vector<1x256xi1>, vector<1x256xf32>
      %lt3A_831 = arith.constant -9.99999968E+37 : f32
      %lt3A_832 = vector.broadcast %lt3A_831 : f32 to vector<1x256xf32>
      %lt3A_833 = arith.cmpf olt, %select_n3A_825, %lt3A_832 : vector<1x256xf32>
      %sub3A_834 = arith.subf %select_n3A_830, %div3A_485 : vector<1x256xf32>
      %select_n3A_835 = arith.select %lt3A_833, %sub3A_834, %select_n3A_825 : vector<1x256xi1>, vector<1x256xf32>
      %add3A_836 = arith.addf %select_n3A_835, %select_n3A_830 : vector<1x256xf32>
      %mul3A_837 = arith.constant 5.000000e-01 : f32
      %mul3A_838 = vector.broadcast %mul3A_837 : f32 to vector<1x256xf32>
      %mul3A_839 = arith.mulf %mul3A_838, %add3A_836 : vector<1x256xf32>
      %swap3A_840 = arith.constant 0 : index
      %swap3A_841 = arith.constant 0 : index
      %swap3A_842 = vector.load %arg4[%swap3A_840, %swap3A_841] : memref<1x256xf32, #tpu.memory_space<vmem>>, vector<1x256xf32>
      tpu.vector_store %arg4[%swap3A_840, %swap3A_841], %mul3A_839 {strides = array<i32>} : memref<1x256xf32, #tpu.memory_space<vmem>>, vector<1x256xf32>,
    } else {
    }
    return
  }
  func.func @transform_0(%arg0: i32) -> (i32, i32) {
    %c0_i32 = arith.constant 0 : i32
    %c0_i32_0 = arith.constant 0 : i32
    return %arg0, %c0_i32 : i32, i32
  }
  func.func @transform_1(%arg0: i32) -> (i32, i32) {
    %c0_i32 = arith.constant 0 : i32
    %c0_i32_0 = arith.constant 0 : i32
    %c0_i32_1 = arith.constant 0 : i32
    return %c0_i32, %c0_i32_0 : i32, i32
  }
  func.func @transform_2(%arg0: i32) -> (i32, i32, i32) {
    %c0_i32 = arith.constant 0 : i32
    %c0_i32_0 = arith.constant 0 : i32
    %c0_i32_1 = arith.constant 0 : i32
    return %arg0, %c0_i32, %c0_i32_0 : i32, i32, i32
  }
  func.func @transform_3(%arg0: i32) -> (i32, i32) {
    %c0_i32 = arith.constant 0 : i32
    %c0_i32_0 = arith.constant 0 : i32
    %c0_i32_1 = arith.constant 0 : i32
    return %c0_i32, %c0_i32_0 : i32, i32
  }
}

</mosaic_0001>

<sc_bundles>
// kernel: kernel.6.cloned.1.call-start
scs
__scs_entry_jumppad:
0x0: {  	(pc) =	sbr.rel $0x88, $3  }
0x1: {  	(tag) =	ssettag $0x0;
	lr =	simm.s32 $0x1  }
0x2: {  	[smem:$0x3F9B] =	sst lr;
	_ =	strace $0xD0000000  }
0x3: {  	_ = 	snop  }
0x4: {  	_ = 	snop  }
0x5: {  	_ = 	snop  }
0x6: {  	_ = 	snop  }
0x7: {  	_ = 	snop  }
__scs_overlays_trampoline_lowered:
0x8: {  	[smem:$0x3FAA] =	sst s0  }
0x9: {  	[smem:$0x3FAB] =	sst s1  }
0xa: {  	[smem:$0x3FAC] =	sst s2  }
0xb: {  	[smem:$0x3FAD] =	sst s3  }
0xc: {  	[smem:$0x3FAE] =	sst s4  }
0xd: {  	[smem:$0x3FAF] =	sst s5  }
0xe: {  	[smem:$0x3FB0] =	sst s6  }
0xf: {  	[smem:$0x3FB1] =	sst s7  }
0x10: {  	[smem:$0x3FB2] =	sst s8  }
0x11: {  	[smem:$0x3FB3] =	sst s9;
	s0 =	simm.s32 @!p0 $0x0  }
0x12: {  	s1 =	sld [smem:$0x3F99];
	s0 =	simm.s32 @p0 $0x1  }
0x13: {  	[smem:$0x3FB4] =	sst s0;
	s0 =	simm.s32 @!p1 $0x0  }
0x14: {  	s2 =	sld [smem:$0x3F98];
	s0 =	simm.s32 @p1 $0x1  }
0x15: {  	[smem:$0x3FB5] =	sst s0;
	s0 =	simm.s32 @!p2 $0x0  }
0x16: {  	s3 =	sld [smem:$0x3FDB];
	s0 =	simm.s32 @p2 $0x1  }
0x17: {  	s4 =	simm.s32 $0x1BF5;
	[smem:$0x3FB7] =	sst s0  }
0x18: {  	s0 =	sld [smem:$0x3F9A];
	_ =	swait.ge [sflag:s4], $0x0  }
0x19: {  	s7 =	sld [smem:$0x3F9B]  }
0x1a: {  	s8 =	sadd.s32 $0xFFFFE003, lr  }
0x1b: {  	s9 =	sadd.s32 $0xFFFFFEF7, lr;
	s5 =	simm.s32 $0xFFFFFFFF;
	p2 =	slt.u32 s8, $0xFFFFF086  }
0x1c: {  	p1 =	slt.u32 s9, $0xF7A;
	s5 =	simm.s32 @!p2 $0x0  }
0x1d: {  	s5 =	simm.s32 @p1 $0x1;
	p0 =	seq.s32 s7, s2  }
0x1e: {  	s7 =	smul.u32 @!p0 $0xF7A, s2;
	p2 =	seq.s32 @!p0 s5, $0x0  }
0x1f: {  	s9 =	smul.u32 $0xF7A, s1;
	s8 =	simm.s32 @!p0 $0x1BF5;
	p2 =	por !p2, p0  }
0x20: {  	[sflag:s8] =	ssyncset.s32 @!p0 $0xFFFFF086;
	s6 =	sadd.s32 @!p0 s3, s7;
	s7 =	simm.s32 @!p0 $0x108  }
0x21: {  	s3 =	sadd.s32 s3, s9;
	s6 =	sadd.s32 @!p0 $0x88, s6;
	s7 =	simm.s32 @p2 $0x1082  }
0x22: {  	[simem:s7], [sflag:s8] =	dma.local @!p0 [hbm:s6], $0xF7A  }
0x23: {  	s9 =	sor.u32 $0xD0000000, s2;
	s6 =	simm.s32 $0x108;
	_ =	swait.ge @!p0 [sflag:s8], $0x0  }
0x24: {  	s3 =	sadd.s32 $0x88, s3;
	s6 =	simm.s32 @!p1 $0x1082;
	[sflag:s4] =	ssyncset.s32 $0xFFFFF086  }
0x25: {  	[simem:s6], [sflag:s4] =	dma.local [hbm:s3], $0xF7A  }
0x26: {  	[smem:$0x3F9B] =	sst s1;
	(tag) =	ssettag s2;
	_ =	strace s9  }
0x27: {  	s1 =	sld [smem:$0x3FAB]  }
0x28: {  	s2 =	sld [smem:$0x3FAC]  }
0x29: {  	s4 =	sld [smem:$0x3FAE]  }
0x2a: {  	p0 =	seq.s32 s5, $0x0;
	s5 =	sld [smem:$0x3FAF]  }
0x2b: {  	s6 =	sld [smem:$0x3FB0]  }
0x2c: {  	s7 =	sld [smem:$0x3FB1]  }
0x2d: {  	s3 =	simm.s32 $0x108;
	s8 =	sld [smem:$0x3FB2]  }
0x2e: {  	s3 =	simm.s32 @!p0 $0x1082;
	s9 =	sld [smem:$0x3FB3]  }
0x2f: {  	lr =	sadd.s32 s0, s3;
	s0 =	sld [smem:$0x3FAA]  }
0x30: {  	s3 =	sld [smem:$0x3FAD]  }
0x31: {  	[smem:$0x3FB6] =	sst s10  }
0x32: {  	s10 =	sld [smem:$0x3FB4];
	_ =	sdelay $0x3  }
0x33: {  	p0 =	seq.s32 s10, $0x1;
	s10 =	sld [smem:$0x3FB6];
	_ =	sdelay $0x3  }
0x34: {  	[smem:$0x3FB6] =	sst s10  }
0x35: {  	s10 =	sld [smem:$0x3FB5];
	_ =	sdelay $0x3  }
0x36: {  	p1 =	seq.s32 s10, $0x1;
	s10 =	sld [smem:$0x3FB6];
	_ =	sdelay $0x3  }
0x37: {  	[smem:$0x3FB6] =	sst s10  }
0x38: {  	s10 =	sld [smem:$0x3FB7]  }
0x39: {  	_ = 	snop;
	(pc) =	sbr.ind lr, $3  }
0x3a: {  	_ = 	snop  }
0x3b: {  	_ = 	snop  }
0x3c: {  	p2 =	seq.s32 s10, $0x1;
	s10 =	sld [smem:$0x3FB6]  }
0x3d: {  	_ =	shalt  }
0x3e: {  	_ =	shalt  }
0x3f: {  	_ =	shalt  }
0x40: {  	_ =	shalt  }
0x41: {  	_ =	shalt  }
0x42: {  	_ =	shalt  }
0x43: {  	_ =	shalt  }
0x44: {  	_ =	shalt  }
0x45: {  	_ =	shalt  }
0x46: {  	_ =	shalt  }
0x47: {  	_ =	shalt  }
0x48: {  	_ =	shalt  }
0x49: {  	_ =	shalt  }
0x4a: {  	_ =	shalt  }
0x4b: {  	_ =	shalt  }
0x4c: {  	_ =	shalt  }
0x4d: {  	_ =	shalt  }
0x4e: {  	_ =	shalt  }
0x4f: {  	_ =	shalt  }
0x50: {  	_ =	shalt  }
0x51: {  	_ =	shalt  }
0x52: {  	_ =	shalt  }
0x53: {  	_ =	shalt  }
0x54: {  	_ =	shalt  }
0x55: {  	_ =	shalt  }
0x56: {  	_ =	shalt  }
0x57: {  	_ =	shalt  }
0x58: {  	_ =	shalt  }
0x59: {  	_ =	shalt  }
0x5a: {  	_ =	shalt  }
0x5b: {  	_ =	shalt  }
0x5c: {  	_ =	shalt  }
0x5d: {  	_ =	shalt  }
0x5e: {  	_ =	shalt  }
0x5f: {  	_ =	shalt  }
0x60: {  	_ =	shalt  }
0x61: {  	_ =	shalt  }
0x62: {  	_ =	shalt  }
0x63: {  	_ =	shalt  }
0x64: {  	_ =	shalt  }
0x65: {  	_ =	shalt  }
0x66: {  	_ =	shalt  }
0x67: {  	_ =	shalt  }
0x68: {  	_ =	shalt  }
0x69: {  	_ =	shalt  }
0x6a: {  	_ =	shalt  }
0x6b: {  	_ =	shalt  }
0x6c: {  	_ =	shalt  }
0x6d: {  	_ =	shalt  }
0x6e: {  	_ =	shalt  }
0x6f: {  	_ =	shalt  }
0x70: {  	_ =	shalt  }
0x71: {  	_ =	shalt  }
0x72: {  	_ =	shalt  }
0x73: {  	_ =	shalt  }
0x74: {  	_ =	shalt  }
0x75: {  	_ =	shalt  }
0x76: {  	_ =	shalt  }
0x77: {  	_ =	shalt  }
0x78: {  	_ =	shalt  }
0x79: {  	_ =	shalt  }
0x7a: {  	_ =	shalt  }
0x7b: {  	_ =	shalt  }
0x7c: {  	_ =	shalt  }
0x7d: {  	_ =	shalt  }
0x7e: {  	_ =	shalt  }
0x7f: {  	_ =	shalt  }
0x80: {  	_ =	shalt  }
0x81: {  	_ =	shalt  }
0x82: {  	_ =	shalt  }
0x83: {  	_ =	shalt  }
0x84: {  	_ =	shalt  }
0x85: {  	_ =	shalt  }
0x86: {  	_ =	shalt  }
0x87: {  	_ =	shalt  }
.Lfunc_end0:
.L_simem_size_0:
called_computation_lowered:
.L_overlay_start_0:
0x88: {  	s2 =	sld [smem:$0x3FD9]  }
0x89: {  	s3 =	sld [smem:$0x3FFE];
	_ =	sdelay $0x1  }
0x8a: {  	s1 =	srdreg.scid  }
0x8b: {  	s0 =	sand.u32 $0x1, s1  }
0x8c: {  	s17 =	sshll.u32 s0, $0xA;
	s2 =	sadd.s32 s3, s2  }
0x8d: {  	s2 =	sadd.s32 s2, s17  }
0x8e: {  	[smem:$0x3FC2] =	sst s2  }
0x8f: {  	_ = 	snop  }
0x90: {  	s2 =	sld [smem:$0x3FC5]  }
0x91: {  	s18 =	sld [smem:$0x3FC4];
	(tm) =	ssettm $0x1  }
0x92: {  	s4 =	sld [smem:$0x3FFB];
	_ =	sdelay $0x3  }
0x93: {  	_ =	strace s4  }
0x94: {  	s4 =	sld [smem:$0x3FFC];
	_ =	sdelay $0x3  }
0x95: {  	_ =	strace s4  }
0x96: {  	s4 =	sld [smem:$0x3FFD];
	_ =	sdelay $0x3  }
0x97: {  	_ =	strace s4  }
0x98: {  	_ =	strace $0x8FFFFFFF  }
0x99: {  	s19 =	sld [smem:$0x3FDB];
	_ =	sdelay $0x1  }
0x9a: {  	s5 =	simm.s32 $_scs_section_size  }
0x9b: {  	s6 =	simm.s32 $_size__tile_overlayer_lowered;
	s7 =	simm.s32 $_tile_overlayer_lowered  }
0x9c: {  	s22 =	simm.s32 $0x1BFF;
	s21 =	sshll.u32 s7, $0x1;
	s4 =	sadd.s32 s5, s19  }
0x9d: {  	s8 =	simm.s32 $0x0;
	s20 =	sshll.u32 s6, $0x1;
	s6 =	sadd.s32 s21, s4  }
0x9e: {  	[timem:s8], [sflag:s22] =	dma.local [hbm:s6], s20  }
0x9f: {  	_ =	swait.ge [sflag:s22], s20  }
0xa0: {  	s5 =	ssub.s32 $0x0, s20;
	[sflag:s22] =	ssyncset.done $0x0  }
0xa1: {  	[sflag:s22] =	ssyncadd.s32 s5;
	_ =	sdelay $0x1  }
0xa2: {  	s23 =	simm.s32 $0x1B8B  }
0xa3: {  	_ =	swait.ge [sflag:s23], $0x1  }
0xa4: {  	[sflag:s23] =	ssyncset.done $0x0  }
0xa5: {  	s25 =	simm.s32 $0x1B8E;
	s24 =	sld [smem:$0x3FFE];
	[sflag:s23] =	ssyncadd.s32 $0xFFFFFFFF  }
0xa6: {  	s26 =	simm.s32 $execute0_lowered;
	[smem:$0x3FD2] =	sst s25  }
0xa7: {  	s6 =	sshll.u32 s26, $0x1;
	_ =	strace $0x80000046;
	[dreg:$0x1] =	wrdreg $0xFFFFFFFF  }
0xa8: {  	s28 =	simm.s32 $_size_execute0_lowered;
	s4 =	sadd.s32 s4, s6;
	[dreg:$0x0] =	wrdreg $0x0  }
0xa9: {  	s6 =	sshll.u32 s28, $0x1;
	[dreg:$0x2] =	wrdreg s4  }
0xaa: {  	[dreg:$0x3] =	wrdreg s6  }
0xab: {  	[dreg:$0x4] =	wrdreg $0xC0  }
0xac: {  	_ =	task [dreg:s8], $0x5FFFF  }
0xad: {  	[dreg:$0x1] =	wrdreg $0xFFFFFFFF  }
0xae: {  	[dreg:$0x0] =	wrdreg $0x60  }
0xaf: {  	[dreg:$0x2] =	wrdreg s18  }
0xb0: {  	[dreg:$0x3] =	wrdreg s2  }
0xb1: {  	[dreg:$0x4] =	wrdreg s24  }
0xb2: {  	[dreg:$0x5] =	wrdreg $0x9  }
0xb3: {  	_ =	task.clear_ibuf [dreg:s8], $0x6FFFF;
	_ =	strace $0x90000046  }
0xb4: {  	s29 =	simm.s32 $0x9;
	_ =	strace $0x80000048  }
0xb5: {  	_ =	swait.ge [sflag:s29], $0x1  }
0xb6: {  	[sflag:s29] =	ssyncadd.s32 $0xFFFFFFFF  }
0xb7: {  	_ =	strace $0x90000048  }
0xb8: {  	_ =	sfence  }
0xb9: {  	s30 =	sld [smem:$0x0];
	_ =	sdelay $0x2  }
0xba: {  	s31 =	sshll.u32 s1, $0xD;
	s1 =	sshrl.u32 s1, $0x2  }
0xbb: {  	s3 =	sand.u32 $0x4000, s31;
	s1 =	sadd.s32 s1, s30  }
0xbc: {  	s0 =	sor.u32 s3, s0;
	s1 =	sshll.u32 s1, $0x11  }
0xbd: {  	s0 =	sor.u32 s1, s0  }
0xbe: {  	s0 =	sadd.s32 $0x8F2B, s0  }
0xbf: {  	[sflag:s0] =	ssyncadd.remote.s32 $0x1  }
0xc0: {  	_ =	sfence.sel $0xFFFF  }
0xc1: {  	[dreg:$0x0] =	wrdreg $0xFFFFFFFF;
	(pc) =	sbr.abs _section_cstart, $3  }
0xc2: {  	[dreg:$0x1] =	wrdreg $0xFFFFFFFF  }
0xc3: {  	_ =	task.clear_ibuf [dreg:s8], $0x2FFFF;
	_ =	strace $0x9FFFFFFF  }
0xc4: {  	(tm) =	ssettm $0x7FFFFFFF  }
0xc5: {  	_ =	shalt  }
tec
execute0_lowered:
.L_overlay_start_1:
0x0: {  	(tag) =	ssettag $0x1  }
0x1: {  	s1 =	rddreg [dreg:$0x0];
	s2 =	srdreg.scid  }
0x2: {  	s4 =	rddreg [dreg:$0x1];
	s0 =	stileid.u32  }
0x3: {  	s9 =	rddreg [dreg:$0x2];
	s3 =	simm.s32 $0x0;
	s6 =	sand.u32 $0x1, s2  }
0x4: {  	s5 =	sshll.u32 s0, $0x4;
	s2 =	rddreg [dreg:$0x3];
	s7 =	sshll.u32 s6, $0x3  }
0x5: {  	s8 =	simm.s32 $0x1;
	[smem:$0x7FF] =	sst s3;
	s10 =	sor.u32 s7, s5  }
0x6: {  	_ =	strace $0x80000047;
	s11 =	ssub.s32 $0x2, s6;
	s5 =	sshrl.u32 s10, $0x3  }
0x7: {  	s6 =	simm.s32 $0x8;
	s5 =	sadd.s32 s4, s5;
	s4 =	simm.s32 $0x2  }
0x8: {  	[tilespmem:s3], [sflag:$0x2] =	stream.linear.gather [hbm4b:s5+s3], $0x8, $0x38;
	[tilespmem:$0x480] =	vst v63  }
0x9: {  	s7 =	simm.s32 $0x80;
	s12 =	sshrl.u32 s11, $0x1;
	_ =	swait.ge [sflag:s4], $0x8  }
0xa: {  	s10 =	sshll.u32 s10, $0x4;
	s31 =	ssub.s32 s11, s12;
	[sflag:s4] =	ssyncset.done $0x0  }
0xb: {  	s9 =	sadd.s32 s10, s9;
	s10 =	smax.u32 s31, $0x1;
	[sflag:s4] =	ssyncadd.s32 $0xFFFFFFF8  }
0xc: {  	[tilespmem:s7], [sflag:$0x1] =	stream.indirect.gather [hbm4b:s1+s6], $0x80, s3, s6, $0xb8;
	[tilespmem:$0x480] =	vst v63  }
0xd: {  	p0 =	sne.s32 s10, $0x1;
	_ =	swait.ge [sflag:s8], $0x400  }
.Ltmp0:
0xe: {  	[sflag:s8] =	ssyncset.done $0x0;
	(pc) =	sbr.rel @!p0 .LBB2_2-.Ltmp0, $4  }
0xf: {  	s9 =	sadd.s32 $0x200, s9;
	[sflag:s8] =	ssyncadd.s32 $0xFFFFFC00  }
0x10: {  	[hbm4b:s9+s3] =	stream.linear.scatter [tilespmem:s7], [sflag:$0x2], $0x400, $0x38;
	[tilespmem:$0x480] =	vst v63  }
0x11: {  	_ =	swait.ge [sflag:s4], $0x400  }
0x12: {  	s10 =	sadd.s32 $0xFFFFFFFF, s10;
	[sflag:s4] =	ssyncset.done $0x0  }
.LBB2_1:
0x13: {  	p0 =	sne.s32 s10, $0x1;
	s10 =	sadd.s32 $0xFFFFFFFF, s10;
	[sflag:s4] =	ssyncadd.s32 $0xFFFFFC00  }
0x14: {  	[tilespmem:s3], [sflag:$0x2] =	stream.linear.gather [hbm4b:s5+s3], $0x8, $0x38;
	[tilespmem:$0x480] =	vst v63  }
0x15: {  	_ =	swait.ge [sflag:s4], $0x8  }
0x16: {  	[sflag:s4] =	ssyncset.done $0x0  }
0x17: {  	[sflag:s4] =	ssyncadd.s32 $0xFFFFFFF8  }
0x18: {  	[tilespmem:s7], [sflag:$0x1] =	stream.indirect.gather [hbm4b:s1+s6], $0x80, s3, s6, $0xb8;
	[tilespmem:$0x480] =	vst v63  }
0x19: {  	_ =	swait.ge [sflag:s8], $0x400  }
.Ltmp1:
0x1a: {  	[sflag:s8] =	ssyncset.done $0x0;
	(pc) =	sbr.rel @p0 .LBB2_1-.Ltmp1, $4  }
0x1b: {  	[sflag:s8] =	ssyncadd.s32 $0xFFFFFC00  }
0x1c: {  	[hbm4b:s9+s3] =	stream.linear.scatter [tilespmem:s7], [sflag:$0x2], $0x400, $0x38;
	[tilespmem:$0x480] =	vst v63  }
0x1d: {  	_ =	swait.ge [sflag:s4], $0x400  }
0x1e: {  	[sflag:s4] =	ssyncset.done $0x0  }
.LBB2_2:
0x1f: {  	[sflag:s4] =	ssyncadd.s32 $0xFFFFFC00  }
0x20: {  	_ =	sfence.sel $0x180000  }
0x21: {  	[bflag:$0x0] =	sbarrier.arrive $0xFFFF  }
0x22: {  	p0 =	sne.s32 s0, $0x0;
	_ =	strace $0x90000047  }
0x23: {  	s0 =	sadd.s32 @!p0 $0x100000, s2;
	[bflag:$0x2] =	sbarrier.arrive $0xFFFF  }
0x24: {  	[sflag:s0] =	ssyncadd.tile.s32 @!p0 $0x1;
	_ =	shalt  }
.Lfunc_end2:
_tile_overlayer_lowered:
.L_overlay_start_2:
0x25: {  	(tag) =	ssettag $0x2  }
0x26: {  	s0 =	rddreg [dreg:$0x0];
	s2 =	stileid.u32  }
0x27: {  	s1 =	rddreg [dreg:$0x1];
	p0 =	sne.s32 s2, $0x0  }
0x28: {  	s3 =	rddreg [dreg:$0x2];
	[bflag:$0x3] =	sbarrier.arrive $0xFFFF;
	s2 =	simm.s32 @!p0 $0x1C02  }
0x29: {  	[timem:s3], [sflag:s2] =	dma.local @!p0 [hbm:s0], s1  }
0x2a: {  	s0 =	simm.s32 @!p0 $0x2  }
0x2b: {  	_ =	swait.ge @!p0 [sflag:s0], s1  }
0x2c: {  	s1 =	ssub.s32 @!p0 $0x0, s1;
	[sflag:s0] =	ssyncset.done @!p0 $0x0  }
0x2d: {  	[sflag:s0] =	ssyncadd.s32 @!p0 s1  }
0x2e: {  	[bflag:$0x3] =	sbarrier.arrive $0xFFFF  }
0x2f: {  	_ =	shalt  }

</sc_bundles>
